<compile_context>
chip_gen: v7x
topology: tpu7x:2x2x1
jax: 0.10.2.dev20260603
libtpu: 0.0.44.dev20260713+nightly
codegen_flags: <defaults>
</compile_context>

<pallas_src>
import functools

import jax
import jax.numpy as jnp
from jax import lax
from jax.experimental import pallas as pl
from jax.experimental.pallas import tpu as pltpu
from jax.experimental.pallas import tpu_sc as plsc

N_NODES = 10000
N_EDGES = 320000
D = 128
EPS = 1e-5
NEG_SLOPE = 0.01

NC, NS, L = 2, 16, 16
NW = NC * NS
CH = 72
EPW = 10080
EPAD = NW * EPW
NCH = EPW // CH
NSLOT = 4
NPAD = 10240
RPT = NPAD // NS
ZCH = 128
NRC = RPT // ZCH

_mesh = plsc.VectorSubcoreMesh(
    core_axis_name="c", subcore_axis_name="s", num_cores=NC, num_subcores=NS)


@functools.partial(
    pl.kernel,
    out_type=jax.ShapeDtypeStruct((NW, NPAD), jnp.float32),
    mesh=_mesh,
    compiler_params=pltpu.CompilerParams(needs_layout_passes=False),
    scratch_types=[
        pltpu.VMEM((EPW,), jnp.int32),
        pltpu.VMEM((NPAD,), jnp.float32),
    ],
)
def _deg_kernel(dst_hbm, deg_hbm, dst_v, deg_v):
    wid = lax.axis_index("s") * NC + lax.axis_index("c")
    pltpu.sync_copy(dst_hbm.at[pl.ds(wid * EPW, EPW)], dst_v)

    zero = jnp.zeros((L,), jnp.float32)

    def _zero(i, c):
        deg_v[pl.ds(i * L, L)] = zero
        return c

    lax.fori_loop(0, NPAD // L, _zero, 0)

    ones = jnp.ones((L,), jnp.float32)

    def _count(i, c):
        idx = dst_v[pl.ds(i * L, L)]
        plsc.addupdate_scatter(deg_v, [idx], ones)
        return c

    lax.fori_loop(0, EPW // L, _count, 0)
    pltpu.sync_copy(deg_v, deg_hbm.at[wid])


@functools.partial(
    pl.kernel,
    out_type=jax.ShapeDtypeStruct((NC, N_NODES, D), jnp.float32),
    mesh=_mesh,
    compiler_params=pltpu.CompilerParams(needs_layout_passes=False),
    scratch_types=(
        [pltpu.VMEM((EPW,), jnp.int32)]
        + [pltpu.VMEM((CH,), jnp.int32) for _ in range(NSLOT)]
        + [pltpu.VMEM((CH, D), jnp.float32) for _ in range(NSLOT)]
        + [pltpu.VMEM_SHARED((NPAD, D), jnp.float32)]
        + [pltpu.SemaphoreType.DMA] * (3 * NSLOT)
    ),
)
def _msg_kernel(src_hbm, dst_hbm, y_hbm, acc_hbm, src_v, *bufs):
    dsti = bufs[0:NSLOT]
    rows = bufs[NSLOT:2 * NSLOT]
    acc_s = bufs[2 * NSLOT]
    dsem = bufs[2 * NSLOT + 1:3 * NSLOT + 1]
    gsem = bufs[3 * NSLOT + 1:4 * NSLOT + 1]
    ssem = bufs[4 * NSLOT + 1:5 * NSLOT + 1]
    cid = lax.axis_index("c")
    sid = lax.axis_index("s")
    wid = sid * NC + cid
    ebase = wid * EPW

    def _start(c, k):
        cb = c * CH
        pltpu.async_copy(dst_hbm.at[pl.ds(ebase + cb, CH)], dsti[k], dsem[k])
        pltpu.async_copy(y_hbm.at[src_v.at[pl.ds(cb, CH)]], rows[k], gsem[k])

    def _wait_g(k):
        pltpu.make_async_copy(dst_hbm.at[pl.ds(ebase, CH)], dsti[k],
                              dsem[k]).wait()
        pltpu.make_async_copy(y_hbm.at[src_v.at[pl.ds(0, CH)]], rows[k],
                              gsem[k]).wait()

    def _scat(k):
        pltpu.async_copy(rows[k], acc_s.at[dsti[k]], ssem[k], add=True)

    def _wait_s(k):
        pltpu.make_async_copy(rows[k], acc_s.at[dsti[k]], ssem[k]).wait()

    pltpu.sync_copy(src_hbm.at[pl.ds(ebase, EPW)], src_v)
    _start(0, 0)
    _start(1, 1)

    zero = jnp.zeros((L,), jnp.float32)

    def _zrow(i, c):
        for j in range(D // L):
            rows[2][i, pl.ds(j * L, L)] = zero
            rows[3][i, pl.ds(j * L, L)] = zero
        return c

    lax.fori_loop(0, CH, _zrow, 0)
    rbase = sid * RPT
    for k in range(NRC):
        pltpu.sync_copy(rows[2], acc_s.at[pl.ds(rbase + k * ZCH, CH)])
        pltpu.sync_copy(rows[3].at[pl.ds(0, ZCH - CH)],
                        acc_s.at[pl.ds(rbase + k * ZCH + CH, ZCH - CH)])
    plsc.subcore_barrier()

    _start(2, 2)
    _start(3, 3)

    def _ring(i5, c):
        base = NSLOT * i5
        for k in range(NSLOT):
            _wait_g(k)
            _scat(k)
            _wait_s(k)
            _start(base + k + NSLOT, k)
        return c

    lax.fori_loop(0, NCH // NSLOT - 1, _ring, 0)
    for i in range(NCH - NSLOT, NCH):
        k = i % NSLOT
        _wait_g(k)
        _scat(k)
    for i in range(NCH - NSLOT, NCH):
        _wait_s(i % NSLOT)

    plsc.subcore_barrier()

    @pl.when(sid < N_NODES // 1000)
    def _():
        xbase = sid * 1000
        for n0, n in ((0, 128), (128, 128), (256, 128), (384, 128),
                      (512, 128), (640, 128), (768, 128), (896, 104)):
            pltpu.sync_copy(acc_s.at[pl.ds(xbase + n0, n)],
                            acc_hbm.at[cid, pl.ds(xbase + n0, n)])


BR = 2000
NB = N_NODES // BR


def _dred_body(degp_ref, dsum_ref):
    dsum_ref[...] = jnp.sum(degp_ref[...], axis=0, keepdims=True)


def _mm_body(x_ref, w_ref, xl_ref):
    xl_ref[...] = jnp.dot(x_ref[...], w_ref[...],
                          preferred_element_type=jnp.float32)


def _lin_body(xl_ref, deg_ref, y_ref, dis_ref):
    dis = lax.rsqrt(deg_ref[...] + 1.0)
    y_ref[...] = xl_ref[...] * dis
    dis_ref[...] = dis


def _e1_body(a0_ref, a1_ref, y_ref, dis_ref, b_ref, z_ref, s1_ref, s2_ref):
    a = (a0_ref[...] + a1_ref[...]).reshape(BR, D)
    t = (a + y_ref[...]) * dis_ref[...] + b_ref[...]
    z = jnp.where(t >= 0.0, t, NEG_SLOPE * t)
    z_ref[...] = z
    s1_ref[...] = jnp.sum(z, axis=0).reshape(1, 1, D)
    s2_ref[...] = jnp.sum(z * z, axis=0).reshape(1, 1, D)


def _e2_body(z_ref, s1_ref, s2_ref, g_ref, bt_ref, o_ref):
    n = jnp.float32(N_NODES)
    mean = jnp.sum(s1_ref[...], axis=0) / n
    msq = jnp.sum(s2_ref[...], axis=0) / n
    var = msq - mean * mean
    rstd = lax.rsqrt(var + EPS)
    o_ref[...] = g_ref[...] * (z_ref[...] - mean) * rstd + bt_ref[...]


def kernel(x, edge_index, W, b, gamma, beta):
    npad_e = EPAD - N_EDGES
    pad_iota = jnp.arange(npad_e, dtype=jnp.int32)
    src = jnp.concatenate(
        [edge_index[0].astype(jnp.int32), pad_iota % N_NODES])
    dst = jnp.concatenate(
        [edge_index[1].astype(jnp.int32),
         N_NODES + pad_iota % (NPAD - N_NODES)])

    deg_p = _deg_kernel(dst)

    deg_sum = pl.pallas_call(
        _dred_body,
        grid=(1,),
        in_specs=[pl.BlockSpec((NW, NPAD), lambda i: (0, 0))],
        out_specs=pl.BlockSpec((1, NPAD), lambda i: (0, 0)),
        out_shape=jax.ShapeDtypeStruct((1, NPAD), jnp.float32),
    )(deg_p)[:, :N_NODES]

    xl = pl.pallas_call(
        _mm_body,
        grid=(NB,),
        in_specs=[
            pl.BlockSpec((BR, D), lambda i: (i, 0)),
            pl.BlockSpec((D, D), lambda i: (0, 0)),
        ],
        out_specs=pl.BlockSpec((BR, D), lambda i: (i, 0)),
        out_shape=jax.ShapeDtypeStruct((N_NODES, D), jnp.float32),
    )(x, W)

    y, dis = pl.pallas_call(
        _lin_body,
        grid=(NB,),
        in_specs=[
            pl.BlockSpec((BR, D), lambda i: (i, 0)),
            pl.BlockSpec((BR, 1), lambda i: (i, 0)),
        ],
        out_specs=[
            pl.BlockSpec((BR, D), lambda i: (i, 0)),
            pl.BlockSpec((BR, 1), lambda i: (i, 0)),
        ],
        out_shape=[
            jax.ShapeDtypeStruct((N_NODES, D), jnp.float32),
            jax.ShapeDtypeStruct((N_NODES, 1), jnp.float32),
        ],
    )(xl, deg_sum.reshape(N_NODES, 1))

    acc = _msg_kernel(src, dst, y)

    z, s1, s2 = pl.pallas_call(
        _e1_body,
        grid=(NB,),
        in_specs=[
            pl.BlockSpec((1, BR, D), lambda i: (0, i, 0)),
            pl.BlockSpec((1, BR, D), lambda i: (1, i, 0)),
            pl.BlockSpec((BR, D), lambda i: (i, 0)),
            pl.BlockSpec((BR, 1), lambda i: (i, 0)),
            pl.BlockSpec((1, D), lambda i: (0, 0)),
        ],
        out_specs=[
            pl.BlockSpec((BR, D), lambda i: (i, 0)),
            pl.BlockSpec((1, 1, D), lambda i: (i, 0, 0)),
            pl.BlockSpec((1, 1, D), lambda i: (i, 0, 0)),
        ],
        out_shape=[
            jax.ShapeDtypeStruct((N_NODES, D), jnp.float32),
            jax.ShapeDtypeStruct((NB, 1, D), jnp.float32),
            jax.ShapeDtypeStruct((NB, 1, D), jnp.float32),
        ],
    )(acc, acc, y, dis, b.reshape(1, D))

    out = pl.pallas_call(
        _e2_body,
        grid=(NB,),
        in_specs=[
            pl.BlockSpec((BR, D), lambda i: (i, 0)),
            pl.BlockSpec((NB, 1, D), lambda i: (0, 0, 0)),
            pl.BlockSpec((NB, 1, D), lambda i: (0, 0, 0)),
            pl.BlockSpec((1, D), lambda i: (0, 0)),
            pl.BlockSpec((1, D), lambda i: (0, 0)),
        ],
        out_specs=pl.BlockSpec((BR, D), lambda i: (i, 0)),
        out_shape=jax.ShapeDtypeStruct((N_NODES, D), jnp.float32),
    )(z, s1, s2, gamma.reshape(1, D), beta.reshape(1, D))

    return out

# --- scband reference (transcript-rebuilt; emitter-appended) ---
"""Pipeline reference for scband-graph-conv-block-4604204941839 (READ-ONLY COPY).

The authoritative reference and input builder live on the scoring server;
editing this copy changes nothing except your own understanding.
"""

import jax, jax.numpy as jnp
import numpy as np

N_NODES = 10000
N_EDGES = 320000
D_IN = 128
D_OUT = 128
EPS = 1e-5
NEG_SLOPE = 0.01


def setup_inputs(seed: int = 0) -> dict:
    key = jax.random.key(seed)
    k1, k2, k3, k4, k5, k6 = jax.random.split(key, 6)
    x = jax.random.normal(k1, (N_NODES, D_IN), dtype=jnp.float32)
    edge_index = jax.random.randint(k2, (2, N_EDGES), 0, N_NODES, dtype=jnp.int64)
    # GCNConv linear weight (bias=False on the linear; separate aggregated bias)
    W = jax.random.normal(k3, (D_IN, D_OUT), dtype=jnp.float32) * (1.0 / np.sqrt(D_IN))
    b = jnp.zeros((D_OUT,), dtype=jnp.float32)
    # BatchNorm affine params
    gamma = jnp.ones((D_OUT,), dtype=jnp.float32)
    beta = jnp.zeros((D_OUT,), dtype=jnp.float32)
    return {"x": x, "edge_index": edge_index, "W": W, "b": b, "gamma": gamma, "beta": beta}


def reference(x, edge_index, W, b, gamma, beta):
    N = x.shape[0]
    # --- GCNConv ---
    x_lin = x @ W
    # add self loops
    loop = jnp.arange(N, dtype=edge_index.dtype)
    src = jnp.concatenate([edge_index[0], loop])
    dst = jnp.concatenate([edge_index[1], loop])
    # symmetric normalization (edge_weight = 1): deg computed over dst
    ones = jnp.ones(src.shape[0], dtype=x.dtype)
    deg = jax.ops.segment_sum(ones, dst, num_segments=N)
    deg_inv_sqrt = jnp.where(deg > 0, jax.lax.rsqrt(jnp.maximum(deg, 1e-12)), 0.0)
    norm = deg_inv_sqrt[src] * deg_inv_sqrt[dst]
    msgs = x_lin[src] * norm[:, None]
    out = jax.ops.segment_sum(msgs, dst, num_segments=N) + b
    # --- LeakyReLU ---
    out = jnp.where(out >= 0, out, NEG_SLOPE * out)
    # --- BatchNorm (training-mode batch stats over node dim) ---
    mean = jnp.mean(out, axis=0)
    var = jnp.mean((out - mean) ** 2, axis=0)
    out = gamma * (out - mean) * jax.lax.rsqrt(var + EPS) + beta
    # dropout p=0.0 -> identity
    return out

if __name__ == "__main__":
    import jax
    _d = setup_inputs()
    print(jax.jit(kernel)(*tuple(_d.values())))

</pallas_src>

<mosaic_0001>
#map = affine_map<(d0, d1) -> (0)>
#map1 = affine_map<(d0, d1) -> (0, 0)>
module attributes {stable_mosaic.version = 14 : i64} {
  func.func @_deg_kernel(%arg0: i32, %arg1: i32, %arg2: memref<322560xi32, #tpu.memory_space<hbm>>, %arg3: memref<32x10240xf32, #tpu.memory_space<hbm>>, %arg4: memref<10080xi32, #tpu.memory_space<vmem>>, %arg5: memref<10240xf32, #tpu.memory_space<vmem>>) attributes {dimension_semantics = [#tpu.dimension_semantics<core_parallel>, #tpu.dimension_semantics<subcore_parallel>], iteration_bounds = array<i64: 2, 16>, scalar_prefetch = 0 : i64, scratch_operands = 2 : i64, tpu.core_type = #tpu.core_type<sc_vector_subcore>, window_params = [{transform_indices = #map}, {transform_indices = #map1}]} {
    %mul3A = arith.constant 2 : i32
    %mul3A_0 = arith.muli %arg1, %mul3A : i32
    %add3A = arith.addi %mul3A_0, %arg0 : i32
    %mul3A_1 = arith.constant 10080 : i32
    %mul3A_2 = arith.muli %add3A, %mul3A_1 : i32
    "tpu.region"() ({
      %run_scoped3A = tpu.sem_alloc : memref<!tpu.dma_semaphore, #tpu.memory_space<semaphore_mem>>
      %dma_start3A = tpu.memref_slice %arg2[%mul3A_2] : memref<322560xi32, #tpu.memory_space<hbm>> -> memref<10080xi32, #tpu.memory_space<hbm>>
      %dma_start3A_17 = tpu.memref_slice %arg2[%mul3A_2] : memref<322560xi32, #tpu.memory_space<hbm>> -> memref<10080xi32, #tpu.memory_space<hbm>>
      tpu.enqueue_dma source(%dma_start3A_17 : memref<10080xi32, #tpu.memory_space<hbm>>) target(%arg4 : memref<10080xi32, #tpu.memory_space<vmem>>) target_semaphore(%run_scoped3A : memref<!tpu.dma_semaphore, #tpu.memory_space<semaphore_mem>>)
      %dma_wait3A = tpu.memref_slice %arg2[%mul3A_2] : memref<322560xi32, #tpu.memory_space<hbm>> -> memref<10080xi32, #tpu.memory_space<hbm>>
      %dma_wait3A_18 = tpu.memref_slice %arg2[%mul3A_2] : memref<322560xi32, #tpu.memory_space<hbm>> -> memref<10080xi32, #tpu.memory_space<hbm>>
      tpu.wait_dma2 semaphore(%run_scoped3A : memref<!tpu.dma_semaphore, #tpu.memory_space<semaphore_mem>>) src(%dma_wait3A_18 : memref<10080xi32, #tpu.memory_space<hbm>>) dst(%arg4 : memref<10080xi32, #tpu.memory_space<vmem>>)
      tpu.yield
    }) : () -> ()
    %broadcast_in_dim3A = arith.constant 0.000000e+00 : f32
    %broadcast_in_dim3A_3 = vector.broadcast %broadcast_in_dim3A : f32 to vector<16xf32>
    %scan3A = arith.constant 0 : i32
    %scan3A_4 = arith.constant 0 : i32
    %scan3A_5 = arith.constant 640 : i32
    %scan3A_6 = arith.addi %scan3A_4, %scan3A_5 : i32
    %scan3A_7 = arith.constant 1 : i32
    scf.for %scan3A_17 = %scan3A_4 to %scan3A_6 step %scan3A_7  : i32 {
      %mul3A_18 = arith.constant 16 : i32
      %mul3A_19 = arith.muli %scan3A_17, %mul3A_18 : i32
      %swap3A = arith.index_cast %mul3A_19 : i32 to index
      %swap3A_20 = tpu.vector_load %arg5[%swap3A] {strides = array<i32>} : memref<10240xf32, #tpu.memory_space<vmem>>, vector<16xf32>,
      tpu.vector_store %arg5[%swap3A], %broadcast_in_dim3A_3 {strides = array<i32>} : memref<10240xf32, #tpu.memory_space<vmem>>, vector<16xf32>,
    }
    %scan3A_8 = arith.constant 640 : i32
    %broadcast_in_dim3A_9 = arith.constant 1.000000e+00 : f32
    %broadcast_in_dim3A_10 = vector.broadcast %broadcast_in_dim3A_9 : f32 to vector<16xf32>
    %scan3A_11 = arith.constant 0 : i32
    %scan3A_12 = arith.constant 0 : i32
    %scan3A_13 = arith.constant 630 : i32
    %scan3A_14 = arith.addi %scan3A_12, %scan3A_13 : i32
    %scan3A_15 = arith.constant 1 : i32
    scf.for %scan3A_17 = %scan3A_12 to %scan3A_14 step %scan3A_15  : i32 {
      %mul3A_18 = arith.constant 16 : i32
      %mul3A_19 = arith.muli %scan3A_17, %mul3A_18 : i32
      %get3A = arith.index_cast %mul3A_19 : i32 to index
      %get3A_20 = tpu.vector_load %arg4[%get3A] {strides = array<i32>} : memref<10080xi32, #tpu.memory_space<vmem>>, vector<16xi32>,
      tpu.vector_store_idx %arg5[%get3A_20], %broadcast_in_dim3A_10 {add = true} : memref<10240xf32, #tpu.memory_space<vmem>>[vector<16xi32>], vector<16xf32>,
    }
    %scan3A_16 = arith.constant 630 : i32
    "tpu.region"() ({
      %run_scoped3A = tpu.sem_alloc : memref<!tpu.dma_semaphore, #tpu.memory_space<semaphore_mem>>
      %dma_start3A = arith.constant 0 : i32
      %dma_start3A_17 = tpu.memref_slice %arg3[%add3A, %dma_start3A] : memref<32x10240xf32, #tpu.memory_space<hbm>> -> memref<1x10240xf32, #tpu.memory_space<hbm>>
      %dma_start3A_18 = tpu.memref_squeeze %dma_start3A_17 : memref<1x10240xf32, #tpu.memory_space<hbm>> -> memref<10240xf32, #tpu.memory_space<hbm>>
      %dma_start3A_19 = arith.constant 0 : i32
      %dma_start3A_20 = tpu.memref_slice %arg3[%add3A, %dma_start3A_19] : memref<32x10240xf32, #tpu.memory_space<hbm>> -> memref<1x10240xf32, #tpu.memory_space<hbm>>
      %dma_start3A_21 = tpu.memref_squeeze %dma_start3A_20 : memref<1x10240xf32, #tpu.memory_space<hbm>> -> memref<10240xf32, #tpu.memory_space<hbm>>
      tpu.enqueue_dma source(%arg5 : memref<10240xf32, #tpu.memory_space<vmem>>) target(%dma_start3A_21 : memref<10240xf32, #tpu.memory_space<hbm>>) target_semaphore(%run_scoped3A : memref<!tpu.dma_semaphore, #tpu.memory_space<semaphore_mem>>)
      %dma_wait3A = arith.constant 0 : i32
      %dma_wait3A_22 = tpu.memref_slice %arg3[%add3A, %dma_wait3A] : memref<32x10240xf32, #tpu.memory_space<hbm>> -> memref<1x10240xf32, #tpu.memory_space<hbm>>
      %dma_wait3A_23 = tpu.memref_squeeze %dma_wait3A_22 : memref<1x10240xf32, #tpu.memory_space<hbm>> -> memref<10240xf32, #tpu.memory_space<hbm>>
      %dma_wait3A_24 = arith.constant 0 : i32
      %dma_wait3A_25 = tpu.memref_slice %arg3[%add3A, %dma_wait3A_24] : memref<32x10240xf32, #tpu.memory_space<hbm>> -> memref<1x10240xf32, #tpu.memory_space<hbm>>
      %dma_wait3A_26 = tpu.memref_squeeze %dma_wait3A_25 : memref<1x10240xf32, #tpu.memory_space<hbm>> -> memref<10240xf32, #tpu.memory_space<hbm>>
      tpu.wait_dma2 semaphore(%run_scoped3A : memref<!tpu.dma_semaphore, #tpu.memory_space<semaphore_mem>>) src(%arg5 : memref<10240xf32, #tpu.memory_space<vmem>>) dst(%dma_wait3A_26 : memref<10240xf32, #tpu.memory_space<hbm>>)
      tpu.yield
    }) : () -> ()
    return
  }
}

#map = affine_map<(d0, d1) -> (0)>
#map1 = affine_map<(d0, d1) -> (0, 0)>
#map2 = affine_map<(d0, d1) -> (0, 0, 0)>
module attributes {stable_mosaic.version = 14 : i64} {
  func.func @_msg_kernel(%arg0: i32, %arg1: i32, %arg2: memref<322560xi32, #tpu.memory_space<hbm>>, %arg3: memref<322560xi32, #tpu.memory_space<hbm>>, %arg4: memref<10000x128xf32, #tpu.memory_space<hbm>>, %arg5: memref<2x10000x128xf32, #tpu.memory_space<hbm>>, %arg6: memref<10080xi32, #tpu.memory_space<vmem>>, %arg7: memref<72xi32, #tpu.memory_space<vmem>>, %arg8: memref<72xi32, #tpu.memory_space<vmem>>, %arg9: memref<72xi32, #tpu.memory_space<vmem>>, %arg10: memref<72xi32, #tpu.memory_space<vmem>>, %arg11: memref<72x128xf32, #tpu.memory_space<vmem>>, %arg12: memref<72x128xf32, #tpu.memory_space<vmem>>, %arg13: memref<72x128xf32, #tpu.memory_space<vmem>>, %arg14: memref<72x128xf32, #tpu.memory_space<vmem>>, %arg15: memref<10240x128xf32, #tpu.memory_space<vmem_shared>>, %arg16: memref<!tpu.dma_semaphore, #tpu.memory_space<semaphore_mem>>, %arg17: memref<!tpu.dma_semaphore, #tpu.memory_space<semaphore_mem>>, %arg18: memref<!tpu.dma_semaphore, #tpu.memory_space<semaphore_mem>>, %arg19: memref<!tpu.dma_semaphore, #tpu.memory_space<semaphore_mem>>, %arg20: memref<!tpu.dma_semaphore, #tpu.memory_space<semaphore_mem>>, %arg21: memref<!tpu.dma_semaphore, #tpu.memory_space<semaphore_mem>>, %arg22: memref<!tpu.dma_semaphore, #tpu.memory_space<semaphore_mem>>, %arg23: memref<!tpu.dma_semaphore, #tpu.memory_space<semaphore_mem>>, %arg24: memref<!tpu.dma_semaphore, #tpu.memory_space<semaphore_mem>>, %arg25: memref<!tpu.dma_semaphore, #tpu.memory_space<semaphore_mem>>, %arg26: memref<!tpu.dma_semaphore, #tpu.memory_space<semaphore_mem>>, %arg27: memref<!tpu.dma_semaphore, #tpu.memory_space<semaphore_mem>>) attributes {dimension_semantics = [#tpu.dimension_semantics<core_parallel>, #tpu.dimension_semantics<subcore_parallel>], iteration_bounds = array<i64: 2, 16>, scalar_prefetch = 0 : i64, scratch_operands = 22 : i64, tpu.core_type = #tpu.core_type<sc_vector_subcore>, window_params = [{transform_indices = #map}, {transform_indices = #map}, {transform_indices = #map1}, {transform_indices = #map2}]} {
    %mul3A = arith.constant 2 : i32
    %mul3A_0 = arith.muli %arg1, %mul3A : i32
    %add3A = arith.addi %mul3A_0, %arg0 : i32
    %mul3A_1 = arith.constant 10080 : i32
    %mul3A_2 = arith.muli %add3A, %mul3A_1 : i32
    "tpu.region"() ({
      %run_scoped3A = tpu.sem_alloc : memref<!tpu.dma_semaphore, #tpu.memory_space<semaphore_mem>>
      %dma_start3A_136 = tpu.memref_slice %arg2[%mul3A_2] : memref<322560xi32, #tpu.memory_space<hbm>> -> memref<10080xi32, #tpu.memory_space<hbm>>
      %dma_start3A_137 = tpu.memref_slice %arg2[%mul3A_2] : memref<322560xi32, #tpu.memory_space<hbm>> -> memref<10080xi32, #tpu.memory_space<hbm>>
      tpu.enqueue_dma source(%dma_start3A_137 : memref<10080xi32, #tpu.memory_space<hbm>>) target(%arg6 : memref<10080xi32, #tpu.memory_space<vmem>>) target_semaphore(%run_scoped3A : memref<!tpu.dma_semaphore, #tpu.memory_space<semaphore_mem>>)
      %dma_wait3A_138 = tpu.memref_slice %arg2[%mul3A_2] : memref<322560xi32, #tpu.memory_space<hbm>> -> memref<10080xi32, #tpu.memory_space<hbm>>
      %dma_wait3A_139 = tpu.memref_slice %arg2[%mul3A_2] : memref<322560xi32, #tpu.memory_space<hbm>> -> memref<10080xi32, #tpu.memory_space<hbm>>
      tpu.wait_dma2 semaphore(%run_scoped3A : memref<!tpu.dma_semaphore, #tpu.memory_space<semaphore_mem>>) src(%dma_wait3A_139 : memref<10080xi32, #tpu.memory_space<hbm>>) dst(%arg6 : memref<10080xi32, #tpu.memory_space<vmem>>)
      tpu.yield
    }) : () -> ()
    %add3A_3 = arith.constant 0 : i32
    %add3A_4 = arith.addi %mul3A_2, %add3A_3 : i32
    %dma_start3A = tpu.memref_slice %arg3[%add3A_4] : memref<322560xi32, #tpu.memory_space<hbm>> -> memref<72xi32, #tpu.memory_space<hbm>>
    %dma_start3A_5 = tpu.memref_slice %arg3[%add3A_4] : memref<322560xi32, #tpu.memory_space<hbm>> -> memref<72xi32, #tpu.memory_space<hbm>>
    tpu.enqueue_dma source(%dma_start3A_5 : memref<72xi32, #tpu.memory_space<hbm>>) target(%arg7 : memref<72xi32, #tpu.memory_space<vmem>>) target_semaphore(%arg16 : memref<!tpu.dma_semaphore, #tpu.memory_space<semaphore_mem>>)
    %dma_start3A_6 = arith.constant 0 : i32
    %dma_start3A_7 = tpu.memref_slice %arg6[%dma_start3A_6] : memref<10080xi32, #tpu.memory_space<vmem>> -> memref<72xi32, #tpu.memory_space<vmem>>
    %dma_start3A_8 = arith.constant 0 : i32
    %dma_start3A_9 = arith.constant 0 : i32
    %dma_start3A_10 = tpu.memref_slice %arg4[%dma_start3A_8, %dma_start3A_9] : memref<10000x128xf32, #tpu.memory_space<hbm>> -> memref<10000x128xf32, #tpu.memory_space<hbm>>
    tpu.enqueue_indirect_dma source(%dma_start3A_10 : memref<10000x128xf32, #tpu.memory_space<hbm>>) target(%arg11 : memref<72x128xf32, #tpu.memory_space<vmem>>) offsets(%dma_start3A_7 : memref<72xi32, #tpu.memory_space<vmem>>) semaphore(%arg20 : memref<!tpu.dma_semaphore, #tpu.memory_space<semaphore_mem>>)
    %add3A_11 = arith.constant 72 : i32
    %add3A_12 = arith.addi %mul3A_2, %add3A_11 : i32
    %dma_start3A_13 = tpu.memref_slice %arg3[%add3A_12] : memref<322560xi32, #tpu.memory_space<hbm>> -> memref<72xi32, #tpu.memory_space<hbm>>
    %dma_start3A_14 = tpu.memref_slice %arg3[%add3A_12] : memref<322560xi32, #tpu.memory_space<hbm>> -> memref<72xi32, #tpu.memory_space<hbm>>
    tpu.enqueue_dma source(%dma_start3A_14 : memref<72xi32, #tpu.memory_space<hbm>>) target(%arg8 : memref<72xi32, #tpu.memory_space<vmem>>) target_semaphore(%arg17 : memref<!tpu.dma_semaphore, #tpu.memory_space<semaphore_mem>>)
    %dma_start3A_15 = arith.constant 72 : i32
    %dma_start3A_16 = tpu.memref_slice %arg6[%dma_start3A_15] : memref<10080xi32, #tpu.memory_space<vmem>> -> memref<72xi32, #tpu.memory_space<vmem>>
    %dma_start3A_17 = arith.constant 0 : i32
    %dma_start3A_18 = arith.constant 0 : i32
    %dma_start3A_19 = tpu.memref_slice %arg4[%dma_start3A_17, %dma_start3A_18] : memref<10000x128xf32, #tpu.memory_space<hbm>> -> memref<10000x128xf32, #tpu.memory_space<hbm>>
    tpu.enqueue_indirect_dma source(%dma_start3A_19 : memref<10000x128xf32, #tpu.memory_space<hbm>>) target(%arg12 : memref<72x128xf32, #tpu.memory_space<vmem>>) offsets(%dma_start3A_16 : memref<72xi32, #tpu.memory_space<vmem>>) semaphore(%arg21 : memref<!tpu.dma_semaphore, #tpu.memory_space<semaphore_mem>>)
    %broadcast_in_dim3A = arith.constant 0.000000e+00 : f32
    %broadcast_in_dim3A_20 = vector.broadcast %broadcast_in_dim3A : f32 to vector<16xf32>
    %scan3A = arith.constant 0 : i32
    %scan3A_21 = arith.constant 0 : i32
    %scan3A_22 = arith.constant 72 : i32
    %scan3A_23 = arith.addi %scan3A_21, %scan3A_22 : i32
    %scan3A_24 = arith.constant 1 : i32
    scf.for %scan3A_136 = %scan3A_21 to %scan3A_23 step %scan3A_24  : i32 {
      %swap3A = arith.index_cast %scan3A_136 : i32 to index
      %swap3A_137 = arith.constant 0 : index
      %swap3A_138 = tpu.vector_load %arg13[%swap3A, %swap3A_137] {strides = array<i32>} : memref<72x128xf32, #tpu.memory_space<vmem>>, vector<16xf32>,
      tpu.vector_store %arg13[%swap3A, %swap3A_137], %broadcast_in_dim3A_20 {strides = array<i32>} : memref<72x128xf32, #tpu.memory_space<vmem>>, vector<16xf32>,
      %swap3A_139 = arith.index_cast %scan3A_136 : i32 to index
      %swap3A_140 = arith.constant 0 : index
      %swap3A_141 = tpu.vector_load %arg14[%swap3A_139, %swap3A_140] {strides = array<i32>} : memref<72x128xf32, #tpu.memory_space<vmem>>, vector<16xf32>,
      tpu.vector_store %arg14[%swap3A_139, %swap3A_140], %broadcast_in_dim3A_20 {strides = array<i32>} : memref<72x128xf32, #tpu.memory_space<vmem>>, vector<16xf32>,
      %swap3A_142 = arith.index_cast %scan3A_136 : i32 to index
      %swap3A_143 = arith.constant 16 : index
      %swap3A_144 = tpu.vector_load %arg13[%swap3A_142, %swap3A_143] {strides = array<i32>} : memref<72x128xf32, #tpu.memory_space<vmem>>, vector<16xf32>,
      tpu.vector_store %arg13[%swap3A_142, %swap3A_143], %broadcast_in_dim3A_20 {strides = array<i32>} : memref<72x128xf32, #tpu.memory_space<vmem>>, vector<16xf32>,
      %swap3A_145 = arith.index_cast %scan3A_136 : i32 to index
      %swap3A_146 = arith.constant 16 : index
      %swap3A_147 = tpu.vector_load %arg14[%swap3A_145, %swap3A_146] {strides = array<i32>} : memref<72x128xf32, #tpu.memory_space<vmem>>, vector<16xf32>,
      tpu.vector_store %arg14[%swap3A_145, %swap3A_146], %broadcast_in_dim3A_20 {strides = array<i32>} : memref<72x128xf32, #tpu.memory_space<vmem>>, vector<16xf32>,
      %swap3A_148 = arith.index_cast %scan3A_136 : i32 to index
      %swap3A_149 = arith.constant 32 : index
      %swap3A_150 = tpu.vector_load %arg13[%swap3A_148, %swap3A_149] {strides = array<i32>} : memref<72x128xf32, #tpu.memory_space<vmem>>, vector<16xf32>,
      tpu.vector_store %arg13[%swap3A_148, %swap3A_149], %broadcast_in_dim3A_20 {strides = array<i32>} : memref<72x128xf32, #tpu.memory_space<vmem>>, vector<16xf32>,
      %swap3A_151 = arith.index_cast %scan3A_136 : i32 to index
      %swap3A_152 = arith.constant 32 : index
      %swap3A_153 = tpu.vector_load %arg14[%swap3A_151, %swap3A_152] {strides = array<i32>} : memref<72x128xf32, #tpu.memory_space<vmem>>, vector<16xf32>,
      tpu.vector_store %arg14[%swap3A_151, %swap3A_152], %broadcast_in_dim3A_20 {strides = array<i32>} : memref<72x128xf32, #tpu.memory_space<vmem>>, vector<16xf32>,
      %swap3A_154 = arith.index_cast %scan3A_136 : i32 to index
      %swap3A_155 = arith.constant 48 : index
      %swap3A_156 = tpu.vector_load %arg13[%swap3A_154, %swap3A_155] {strides = array<i32>} : memref<72x128xf32, #tpu.memory_space<vmem>>, vector<16xf32>,
      tpu.vector_store %arg13[%swap3A_154, %swap3A_155], %broadcast_in_dim3A_20 {strides = array<i32>} : memref<72x128xf32, #tpu.memory_space<vmem>>, vector<16xf32>,
      %swap3A_157 = arith.index_cast %scan3A_136 : i32 to index
      %swap3A_158 = arith.constant 48 : index
      %swap3A_159 = tpu.vector_load %arg14[%swap3A_157, %swap3A_158] {strides = array<i32>} : memref<72x128xf32, #tpu.memory_space<vmem>>, vector<16xf32>,
      tpu.vector_store %arg14[%swap3A_157, %swap3A_158], %broadcast_in_dim3A_20 {strides = array<i32>} : memref<72x128xf32, #tpu.memory_space<vmem>>, vector<16xf32>,
      %swap3A_160 = arith.index_cast %scan3A_136 : i32 to index
      %swap3A_161 = arith.constant 64 : index
      %swap3A_162 = tpu.vector_load %arg13[%swap3A_160, %swap3A_161] {strides = array<i32>} : memref<72x128xf32, #tpu.memory_space<vmem>>, vector<16xf32>,
      tpu.vector_store %arg13[%swap3A_160, %swap3A_161], %broadcast_in_dim3A_20 {strides = array<i32>} : memref<72x128xf32, #tpu.memory_space<vmem>>, vector<16xf32>,
      %swap3A_163 = arith.index_cast %scan3A_136 : i32 to index
      %swap3A_164 = arith.constant 64 : index
      %swap3A_165 = tpu.vector_load %arg14[%swap3A_163, %swap3A_164] {strides = array<i32>} : memref<72x128xf32, #tpu.memory_space<vmem>>, vector<16xf32>,
      tpu.vector_store %arg14[%swap3A_163, %swap3A_164], %broadcast_in_dim3A_20 {strides = array<i32>} : memref<72x128xf32, #tpu.memory_space<vmem>>, vector<16xf32>,
      %swap3A_166 = arith.index_cast %scan3A_136 : i32 to index
      %swap3A_167 = arith.constant 80 : index
      %swap3A_168 = tpu.vector_load %arg13[%swap3A_166, %swap3A_167] {strides = array<i32>} : memref<72x128xf32, #tpu.memory_space<vmem>>, vector<16xf32>,
      tpu.vector_store %arg13[%swap3A_166, %swap3A_167], %broadcast_in_dim3A_20 {strides = array<i32>} : memref<72x128xf32, #tpu.memory_space<vmem>>, vector<16xf32>,
      %swap3A_169 = arith.index_cast %scan3A_136 : i32 to index
      %swap3A_170 = arith.constant 80 : index
      %swap3A_171 = tpu.vector_load %arg14[%swap3A_169, %swap3A_170] {strides = array<i32>} : memref<72x128xf32, #tpu.memory_space<vmem>>, vector<16xf32>,
      tpu.vector_store %arg14[%swap3A_169, %swap3A_170], %broadcast_in_dim3A_20 {strides = array<i32>} : memref<72x128xf32, #tpu.memory_space<vmem>>, vector<16xf32>,
      %swap3A_172 = arith.index_cast %scan3A_136 : i32 to index
      %swap3A_173 = arith.constant 96 : index
      %swap3A_174 = tpu.vector_load %arg13[%swap3A_172, %swap3A_173] {strides = array<i32>} : memref<72x128xf32, #tpu.memory_space<vmem>>, vector<16xf32>,
      tpu.vector_store %arg13[%swap3A_172, %swap3A_173], %broadcast_in_dim3A_20 {strides = array<i32>} : memref<72x128xf32, #tpu.memory_space<vmem>>, vector<16xf32>,
      %swap3A_175 = arith.index_cast %scan3A_136 : i32 to index
      %swap3A_176 = arith.constant 96 : index
      %swap3A_177 = tpu.vector_load %arg14[%swap3A_175, %swap3A_176] {strides = array<i32>} : memref<72x128xf32, #tpu.memory_space<vmem>>, vector<16xf32>,
      tpu.vector_store %arg14[%swap3A_175, %swap3A_176], %broadcast_in_dim3A_20 {strides = array<i32>} : memref<72x128xf32, #tpu.memory_space<vmem>>, vector<16xf32>,
      %swap3A_178 = arith.index_cast %scan3A_136 : i32 to index
      %swap3A_179 = arith.constant 112 : index
      %swap3A_180 = tpu.vector_load %arg13[%swap3A_178, %swap3A_179] {strides = array<i32>} : memref<72x128xf32, #tpu.memory_space<vmem>>, vector<16xf32>,
      tpu.vector_store %arg13[%swap3A_178, %swap3A_179], %broadcast_in_dim3A_20 {strides = array<i32>} : memref<72x128xf32, #tpu.memory_space<vmem>>, vector<16xf32>,
      %swap3A_181 = arith.index_cast %scan3A_136 : i32 to index
      %swap3A_182 = arith.constant 112 : index
      %swap3A_183 = tpu.vector_load %arg14[%swap3A_181, %swap3A_182] {strides = array<i32>} : memref<72x128xf32, #tpu.memory_space<vmem>>, vector<16xf32>,
      tpu.vector_store %arg14[%swap3A_181, %swap3A_182], %broadcast_in_dim3A_20 {strides = array<i32>} : memref<72x128xf32, #tpu.memory_space<vmem>>, vector<16xf32>,
    }
    %scan3A_25 = arith.constant 72 : i32
    %mul3A_26 = arith.constant 640 : i32
    %mul3A_27 = arith.muli %arg1, %mul3A_26 : i32
    %add3A_28 = arith.constant 0 : i32
    %add3A_29 = arith.addi %mul3A_27, %add3A_28 : i32
    "tpu.region"() ({
      %run_scoped3A = tpu.sem_alloc : memref<!tpu.dma_semaphore, #tpu.memory_space<semaphore_mem>>
      %dma_start3A_136 = arith.constant 0 : i32
      %dma_start3A_137 = tpu.memref_slice %arg15[%add3A_29, %dma_start3A_136] : memref<10240x128xf32, #tpu.memory_space<vmem_shared>> -> memref<72x128xf32, #tpu.memory_space<vmem_shared>>
      %dma_start3A_138 = arith.constant 0 : i32
      %dma_start3A_139 = tpu.memref_slice %arg15[%add3A_29, %dma_start3A_138] : memref<10240x128xf32, #tpu.memory_space<vmem_shared>> -> memref<72x128xf32, #tpu.memory_space<vmem_shared>>
      tpu.enqueue_dma source(%arg13 : memref<72x128xf32, #tpu.memory_space<vmem>>) target(%dma_start3A_139 : memref<72x128xf32, #tpu.memory_space<vmem_shared>>) target_semaphore(%run_scoped3A : memref<!tpu.dma_semaphore, #tpu.memory_space<semaphore_mem>>)
      %dma_wait3A_140 = arith.constant 0 : i32
      %dma_wait3A_141 = tpu.memref_slice %arg15[%add3A_29, %dma_wait3A_140] : memref<10240x128xf32, #tpu.memory_space<vmem_shared>> -> memref<72x128xf32, #tpu.memory_space<vmem_shared>>
      %dma_wait3A_142 = arith.constant 0 : i32
      %dma_wait3A_143 = tpu.memref_slice %arg15[%add3A_29, %dma_wait3A_142] : memref<10240x128xf32, #tpu.memory_space<vmem_shared>> -> memref<72x128xf32, #tpu.memory_space<vmem_shared>>
      tpu.wait_dma2 semaphore(%run_scoped3A : memref<!tpu.dma_semaphore, #tpu.memory_space<semaphore_mem>>) src(%arg13 : memref<72x128xf32, #tpu.memory_space<vmem>>) dst(%dma_wait3A_143 : memref<72x128xf32, #tpu.memory_space<vmem_shared>>)
      tpu.yield
    }) : () -> ()
    %add3A_30 = arith.constant 0 : i32
    %add3A_31 = arith.addi %mul3A_27, %add3A_30 : i32
    %add3A_32 = arith.constant 72 : i32
    %add3A_33 = arith.addi %add3A_31, %add3A_32 : i32
    "tpu.region"() ({
      %run_scoped3A = tpu.sem_alloc : memref<!tpu.dma_semaphore, #tpu.memory_space<semaphore_mem>>
      %dma_start3A_136 = arith.constant 0 : i32
      %dma_start3A_137 = arith.constant 0 : i32
      %dma_start3A_138 = tpu.memref_slice %arg14[%dma_start3A_136, %dma_start3A_137] : memref<72x128xf32, #tpu.memory_space<vmem>> -> memref<56x128xf32, #tpu.memory_space<vmem>>
      %dma_start3A_139 = arith.constant 0 : i32
      %dma_start3A_140 = tpu.memref_slice %arg15[%add3A_33, %dma_start3A_139] : memref<10240x128xf32, #tpu.memory_space<vmem_shared>> -> memref<56x128xf32, #tpu.memory_space<vmem_shared>>
      %dma_start3A_141 = arith.constant 0 : i32
      %dma_start3A_142 = tpu.memref_slice %arg15[%add3A_33, %dma_start3A_141] : memref<10240x128xf32, #tpu.memory_space<vmem_shared>> -> memref<56x128xf32, #tpu.memory_space<vmem_shared>>
      %dma_start3A_143 = arith.constant 0 : i32
      %dma_start3A_144 = arith.constant 0 : i32
      %dma_start3A_145 = tpu.memref_slice %arg14[%dma_start3A_143, %dma_start3A_144] : memref<72x128xf32, #tpu.memory_space<vmem>> -> memref<56x128xf32, #tpu.memory_space<vmem>>
      tpu.enqueue_dma source(%dma_start3A_145 : memref<56x128xf32, #tpu.memory_space<vmem>>) target(%dma_start3A_142 : memref<56x128xf32, #tpu.memory_space<vmem_shared>>) target_semaphore(%run_scoped3A : memref<!tpu.dma_semaphore, #tpu.memory_space<semaphore_mem>>)
      %dma_wait3A_146 = arith.constant 0 : i32
      %dma_wait3A_147 = arith.constant 0 : i32
      %dma_wait3A_148 = tpu.memref_slice %arg14[%dma_wait3A_146, %dma_wait3A_147] : memref<72x128xf32, #tpu.memory_space<vmem>> -> memref<56x128xf32, #tpu.memory_space<vmem>>
      %dma_wait3A_149 = arith.constant 0 : i32
      %dma_wait3A_150 = tpu.memref_slice %arg15[%add3A_33, %dma_wait3A_149] : memref<10240x128xf32, #tpu.memory_space<vmem_shared>> -> memref<56x128xf32, #tpu.memory_space<vmem_shared>>
      %dma_wait3A_151 = arith.constant 0 : i32
      %dma_wait3A_152 = tpu.memref_slice %arg15[%add3A_33, %dma_wait3A_151] : memref<10240x128xf32, #tpu.memory_space<vmem_shared>> -> memref<56x128xf32, #tpu.memory_space<vmem_shared>>
      %dma_wait3A_153 = arith.constant 0 : i32
      %dma_wait3A_154 = arith.constant 0 : i32
      %dma_wait3A_155 = tpu.memref_slice %arg14[%dma_wait3A_153, %dma_wait3A_154] : memref<72x128xf32, #tpu.memory_space<vmem>> -> memref<56x128xf32, #tpu.memory_space<vmem>>
      tpu.wait_dma2 semaphore(%run_scoped3A : memref<!tpu.dma_semaphore, #tpu.memory_space<semaphore_mem>>) src(%dma_wait3A_155 : memref<56x128xf32, #tpu.memory_space<vmem>>) dst(%dma_wait3A_152 : memref<56x128xf32, #tpu.memory_space<vmem_shared>>)
      tpu.yield
    }) : () -> ()
    %add3A_34 = arith.constant 128 : i32
    %add3A_35 = arith.addi %mul3A_27, %add3A_34 : i32
    "tpu.region"() ({
      %run_scoped3A = tpu.sem_alloc : memref<!tpu.dma_semaphore, #tpu.memory_space<semaphore_mem>>
      %dma_start3A_136 = arith.constant 0 : i32
      %dma_start3A_137 = tpu.memref_slice %arg15[%add3A_35, %dma_start3A_136] : memref<10240x128xf32, #tpu.memory_space<vmem_shared>> -> memref<72x128xf32, #tpu.memory_space<vmem_shared>>
      %dma_start3A_138 = arith.constant 0 : i32
      %dma_start3A_139 = tpu.memref_slice %arg15[%add3A_35, %dma_start3A_138] : memref<10240x128xf32, #tpu.memory_space<vmem_shared>> -> memref<72x128xf32, #tpu.memory_space<vmem_shared>>
      tpu.enqueue_dma source(%arg13 : memref<72x128xf32, #tpu.memory_space<vmem>>) target(%dma_start3A_139 : memref<72x128xf32, #tpu.memory_space<vmem_shared>>) target_semaphore(%run_scoped3A : memref<!tpu.dma_semaphore, #tpu.memory_space<semaphore_mem>>)
      %dma_wait3A_140 = arith.constant 0 : i32
      %dma_wait3A_141 = tpu.memref_slice %arg15[%add3A_35, %dma_wait3A_140] : memref<10240x128xf32, #tpu.memory_space<vmem_shared>> -> memref<72x128xf32, #tpu.memory_space<vmem_shared>>
      %dma_wait3A_142 = arith.constant 0 : i32
      %dma_wait3A_143 = tpu.memref_slice %arg15[%add3A_35, %dma_wait3A_142] : memref<10240x128xf32, #tpu.memory_space<vmem_shared>> -> memref<72x128xf32, #tpu.memory_space<vmem_shared>>
      tpu.wait_dma2 semaphore(%run_scoped3A : memref<!tpu.dma_semaphore, #tpu.memory_space<semaphore_mem>>) src(%arg13 : memref<72x128xf32, #tpu.memory_space<vmem>>) dst(%dma_wait3A_143 : memref<72x128xf32, #tpu.memory_space<vmem_shared>>)
      tpu.yield
    }) : () -> ()
    %add3A_36 = arith.constant 128 : i32
    %add3A_37 = arith.addi %mul3A_27, %add3A_36 : i32
    %add3A_38 = arith.constant 72 : i32
    %add3A_39 = arith.addi %add3A_37, %add3A_38 : i32
    "tpu.region"() ({
      %run_scoped3A = tpu.sem_alloc : memref<!tpu.dma_semaphore, #tpu.memory_space<semaphore_mem>>
      %dma_start3A_136 = arith.constant 0 : i32
      %dma_start3A_137 = arith.constant 0 : i32
      %dma_start3A_138 = tpu.memref_slice %arg14[%dma_start3A_136, %dma_start3A_137] : memref<72x128xf32, #tpu.memory_space<vmem>> -> memref<56x128xf32, #tpu.memory_space<vmem>>
      %dma_start3A_139 = arith.constant 0 : i32
      %dma_start3A_140 = tpu.memref_slice %arg15[%add3A_39, %dma_start3A_139] : memref<10240x128xf32, #tpu.memory_space<vmem_shared>> -> memref<56x128xf32, #tpu.memory_space<vmem_shared>>
      %dma_start3A_141 = arith.constant 0 : i32
      %dma_start3A_142 = tpu.memref_slice %arg15[%add3A_39, %dma_start3A_141] : memref<10240x128xf32, #tpu.memory_space<vmem_shared>> -> memref<56x128xf32, #tpu.memory_space<vmem_shared>>
      %dma_start3A_143 = arith.constant 0 : i32
      %dma_start3A_144 = arith.constant 0 : i32
      %dma_start3A_145 = tpu.memref_slice %arg14[%dma_start3A_143, %dma_start3A_144] : memref<72x128xf32, #tpu.memory_space<vmem>> -> memref<56x128xf32, #tpu.memory_space<vmem>>
      tpu.enqueue_dma source(%dma_start3A_145 : memref<56x128xf32, #tpu.memory_space<vmem>>) target(%dma_start3A_142 : memref<56x128xf32, #tpu.memory_space<vmem_shared>>) target_semaphore(%run_scoped3A : memref<!tpu.dma_semaphore, #tpu.memory_space<semaphore_mem>>)
      %dma_wait3A_146 = arith.constant 0 : i32
      %dma_wait3A_147 = arith.constant 0 : i32
      %dma_wait3A_148 = tpu.memref_slice %arg14[%dma_wait3A_146, %dma_wait3A_147] : memref<72x128xf32, #tpu.memory_space<vmem>> -> memref<56x128xf32, #tpu.memory_space<vmem>>
      %dma_wait3A_149 = arith.constant 0 : i32
      %dma_wait3A_150 = tpu.memref_slice %arg15[%add3A_39, %dma_wait3A_149] : memref<10240x128xf32, #tpu.memory_space<vmem_shared>> -> memref<56x128xf32, #tpu.memory_space<vmem_shared>>
      %dma_wait3A_151 = arith.constant 0 : i32
      %dma_wait3A_152 = tpu.memref_slice %arg15[%add3A_39, %dma_wait3A_151] : memref<10240x128xf32, #tpu.memory_space<vmem_shared>> -> memref<56x128xf32, #tpu.memory_space<vmem_shared>>
      %dma_wait3A_153 = arith.constant 0 : i32
      %dma_wait3A_154 = arith.constant 0 : i32
      %dma_wait3A_155 = tpu.memref_slice %arg14[%dma_wait3A_153, %dma_wait3A_154] : memref<72x128xf32, #tpu.memory_space<vmem>> -> memref<56x128xf32, #tpu.memory_space<vmem>>
      tpu.wait_dma2 semaphore(%run_scoped3A : memref<!tpu.dma_semaphore, #tpu.memory_space<semaphore_mem>>) src(%dma_wait3A_155 : memref<56x128xf32, #tpu.memory_space<vmem>>) dst(%dma_wait3A_152 : memref<56x128xf32, #tpu.memory_space<vmem_shared>>)
      tpu.yield
    }) : () -> ()
    %add3A_40 = arith.constant 256 : i32
    %add3A_41 = arith.addi %mul3A_27, %add3A_40 : i32
    "tpu.region"() ({
      %run_scoped3A = tpu.sem_alloc : memref<!tpu.dma_semaphore, #tpu.memory_space<semaphore_mem>>
      %dma_start3A_136 = arith.constant 0 : i32
      %dma_start3A_137 = tpu.memref_slice %arg15[%add3A_41, %dma_start3A_136] : memref<10240x128xf32, #tpu.memory_space<vmem_shared>> -> memref<72x128xf32, #tpu.memory_space<vmem_shared>>
      %dma_start3A_138 = arith.constant 0 : i32
      %dma_start3A_139 = tpu.memref_slice %arg15[%add3A_41, %dma_start3A_138] : memref<10240x128xf32, #tpu.memory_space<vmem_shared>> -> memref<72x128xf32, #tpu.memory_space<vmem_shared>>
      tpu.enqueue_dma source(%arg13 : memref<72x128xf32, #tpu.memory_space<vmem>>) target(%dma_start3A_139 : memref<72x128xf32, #tpu.memory_space<vmem_shared>>) target_semaphore(%run_scoped3A : memref<!tpu.dma_semaphore, #tpu.memory_space<semaphore_mem>>)
      %dma_wait3A_140 = arith.constant 0 : i32
      %dma_wait3A_141 = tpu.memref_slice %arg15[%add3A_41, %dma_wait3A_140] : memref<10240x128xf32, #tpu.memory_space<vmem_shared>> -> memref<72x128xf32, #tpu.memory_space<vmem_shared>>
      %dma_wait3A_142 = arith.constant 0 : i32
      %dma_wait3A_143 = tpu.memref_slice %arg15[%add3A_41, %dma_wait3A_142] : memref<10240x128xf32, #tpu.memory_space<vmem_shared>> -> memref<72x128xf32, #tpu.memory_space<vmem_shared>>
      tpu.wait_dma2 semaphore(%run_scoped3A : memref<!tpu.dma_semaphore, #tpu.memory_space<semaphore_mem>>) src(%arg13 : memref<72x128xf32, #tpu.memory_space<vmem>>) dst(%dma_wait3A_143 : memref<72x128xf32, #tpu.memory_space<vmem_shared>>)
      tpu.yield
    }) : () -> ()
    %add3A_42 = arith.constant 256 : i32
    %add3A_43 = arith.addi %mul3A_27, %add3A_42 : i32
    %add3A_44 = arith.constant 72 : i32
    %add3A_45 = arith.addi %add3A_43, %add3A_44 : i32
    "tpu.region"() ({
      %run_scoped3A = tpu.sem_alloc : memref<!tpu.dma_semaphore, #tpu.memory_space<semaphore_mem>>
      %dma_start3A_136 = arith.constant 0 : i32
      %dma_start3A_137 = arith.constant 0 : i32
      %dma_start3A_138 = tpu.memref_slice %arg14[%dma_start3A_136, %dma_start3A_137] : memref<72x128xf32, #tpu.memory_space<vmem>> -> memref<56x128xf32, #tpu.memory_space<vmem>>
      %dma_start3A_139 = arith.constant 0 : i32
      %dma_start3A_140 = tpu.memref_slice %arg15[%add3A_45, %dma_start3A_139] : memref<10240x128xf32, #tpu.memory_space<vmem_shared>> -> memref<56x128xf32, #tpu.memory_space<vmem_shared>>
      %dma_start3A_141 = arith.constant 0 : i32
      %dma_start3A_142 = tpu.memref_slice %arg15[%add3A_45, %dma_start3A_141] : memref<10240x128xf32, #tpu.memory_space<vmem_shared>> -> memref<56x128xf32, #tpu.memory_space<vmem_shared>>
      %dma_start3A_143 = arith.constant 0 : i32
      %dma_start3A_144 = arith.constant 0 : i32
      %dma_start3A_145 = tpu.memref_slice %arg14[%dma_start3A_143, %dma_start3A_144] : memref<72x128xf32, #tpu.memory_space<vmem>> -> memref<56x128xf32, #tpu.memory_space<vmem>>
      tpu.enqueue_dma source(%dma_start3A_145 : memref<56x128xf32, #tpu.memory_space<vmem>>) target(%dma_start3A_142 : memref<56x128xf32, #tpu.memory_space<vmem_shared>>) target_semaphore(%run_scoped3A : memref<!tpu.dma_semaphore, #tpu.memory_space<semaphore_mem>>)
      %dma_wait3A_146 = arith.constant 0 : i32
      %dma_wait3A_147 = arith.constant 0 : i32
      %dma_wait3A_148 = tpu.memref_slice %arg14[%dma_wait3A_146, %dma_wait3A_147] : memref<72x128xf32, #tpu.memory_space<vmem>> -> memref<56x128xf32, #tpu.memory_space<vmem>>
      %dma_wait3A_149 = arith.constant 0 : i32
      %dma_wait3A_150 = tpu.memref_slice %arg15[%add3A_45, %dma_wait3A_149] : memref<10240x128xf32, #tpu.memory_space<vmem_shared>> -> memref<56x128xf32, #tpu.memory_space<vmem_shared>>
      %dma_wait3A_151 = arith.constant 0 : i32
      %dma_wait3A_152 = tpu.memref_slice %arg15[%add3A_45, %dma_wait3A_151] : memref<10240x128xf32, #tpu.memory_space<vmem_shared>> -> memref<56x128xf32, #tpu.memory_space<vmem_shared>>
      %dma_wait3A_153 = arith.constant 0 : i32
      %dma_wait3A_154 = arith.constant 0 : i32
      %dma_wait3A_155 = tpu.memref_slice %arg14[%dma_wait3A_153, %dma_wait3A_154] : memref<72x128xf32, #tpu.memory_space<vmem>> -> memref<56x128xf32, #tpu.memory_space<vmem>>
      tpu.wait_dma2 semaphore(%run_scoped3A : memref<!tpu.dma_semaphore, #tpu.memory_space<semaphore_mem>>) src(%dma_wait3A_155 : memref<56x128xf32, #tpu.memory_space<vmem>>) dst(%dma_wait3A_152 : memref<56x128xf32, #tpu.memory_space<vmem_shared>>)
      tpu.yield
    }) : () -> ()
    %add3A_46 = arith.constant 384 : i32
    %add3A_47 = arith.addi %mul3A_27, %add3A_46 : i32
    "tpu.region"() ({
      %run_scoped3A = tpu.sem_alloc : memref<!tpu.dma_semaphore, #tpu.memory_space<semaphore_mem>>
      %dma_start3A_136 = arith.constant 0 : i32
      %dma_start3A_137 = tpu.memref_slice %arg15[%add3A_47, %dma_start3A_136] : memref<10240x128xf32, #tpu.memory_space<vmem_shared>> -> memref<72x128xf32, #tpu.memory_space<vmem_shared>>
      %dma_start3A_138 = arith.constant 0 : i32
      %dma_start3A_139 = tpu.memref_slice %arg15[%add3A_47, %dma_start3A_138] : memref<10240x128xf32, #tpu.memory_space<vmem_shared>> -> memref<72x128xf32, #tpu.memory_space<vmem_shared>>
      tpu.enqueue_dma source(%arg13 : memref<72x128xf32, #tpu.memory_space<vmem>>) target(%dma_start3A_139 : memref<72x128xf32, #tpu.memory_space<vmem_shared>>) target_semaphore(%run_scoped3A : memref<!tpu.dma_semaphore, #tpu.memory_space<semaphore_mem>>)
      %dma_wait3A_140 = arith.constant 0 : i32
      %dma_wait3A_141 = tpu.memref_slice %arg15[%add3A_47, %dma_wait3A_140] : memref<10240x128xf32, #tpu.memory_space<vmem_shared>> -> memref<72x128xf32, #tpu.memory_space<vmem_shared>>
      %dma_wait3A_142 = arith.constant 0 : i32
      %dma_wait3A_143 = tpu.memref_slice %arg15[%add3A_47, %dma_wait3A_142] : memref<10240x128xf32, #tpu.memory_space<vmem_shared>> -> memref<72x128xf32, #tpu.memory_space<vmem_shared>>
      tpu.wait_dma2 semaphore(%run_scoped3A : memref<!tpu.dma_semaphore, #tpu.memory_space<semaphore_mem>>) src(%arg13 : memref<72x128xf32, #tpu.memory_space<vmem>>) dst(%dma_wait3A_143 : memref<72x128xf32, #tpu.memory_space<vmem_shared>>)
      tpu.yield
    }) : () -> ()
    %add3A_48 = arith.constant 384 : i32
    %add3A_49 = arith.addi %mul3A_27, %add3A_48 : i32
    %add3A_50 = arith.constant 72 : i32
    %add3A_51 = arith.addi %add3A_49, %add3A_50 : i32
    "tpu.region"() ({
      %run_scoped3A = tpu.sem_alloc : memref<!tpu.dma_semaphore, #tpu.memory_space<semaphore_mem>>
      %dma_start3A_136 = arith.constant 0 : i32
      %dma_start3A_137 = arith.constant 0 : i32
      %dma_start3A_138 = tpu.memref_slice %arg14[%dma_start3A_136, %dma_start3A_137] : memref<72x128xf32, #tpu.memory_space<vmem>> -> memref<56x128xf32, #tpu.memory_space<vmem>>
      %dma_start3A_139 = arith.constant 0 : i32
      %dma_start3A_140 = tpu.memref_slice %arg15[%add3A_51, %dma_start3A_139] : memref<10240x128xf32, #tpu.memory_space<vmem_shared>> -> memref<56x128xf32, #tpu.memory_space<vmem_shared>>
      %dma_start3A_141 = arith.constant 0 : i32
      %dma_start3A_142 = tpu.memref_slice %arg15[%add3A_51, %dma_start3A_141] : memref<10240x128xf32, #tpu.memory_space<vmem_shared>> -> memref<56x128xf32, #tpu.memory_space<vmem_shared>>
      %dma_start3A_143 = arith.constant 0 : i32
      %dma_start3A_144 = arith.constant 0 : i32
      %dma_start3A_145 = tpu.memref_slice %arg14[%dma_start3A_143, %dma_start3A_144] : memref<72x128xf32, #tpu.memory_space<vmem>> -> memref<56x128xf32, #tpu.memory_space<vmem>>
      tpu.enqueue_dma source(%dma_start3A_145 : memref<56x128xf32, #tpu.memory_space<vmem>>) target(%dma_start3A_142 : memref<56x128xf32, #tpu.memory_space<vmem_shared>>) target_semaphore(%run_scoped3A : memref<!tpu.dma_semaphore, #tpu.memory_space<semaphore_mem>>)
      %dma_wait3A_146 = arith.constant 0 : i32
      %dma_wait3A_147 = arith.constant 0 : i32
      %dma_wait3A_148 = tpu.memref_slice %arg14[%dma_wait3A_146, %dma_wait3A_147] : memref<72x128xf32, #tpu.memory_space<vmem>> -> memref<56x128xf32, #tpu.memory_space<vmem>>
      %dma_wait3A_149 = arith.constant 0 : i32
      %dma_wait3A_150 = tpu.memref_slice %arg15[%add3A_51, %dma_wait3A_149] : memref<10240x128xf32, #tpu.memory_space<vmem_shared>> -> memref<56x128xf32, #tpu.memory_space<vmem_shared>>
      %dma_wait3A_151 = arith.constant 0 : i32
      %dma_wait3A_152 = tpu.memref_slice %arg15[%add3A_51, %dma_wait3A_151] : memref<10240x128xf32, #tpu.memory_space<vmem_shared>> -> memref<56x128xf32, #tpu.memory_space<vmem_shared>>
      %dma_wait3A_153 = arith.constant 0 : i32
      %dma_wait3A_154 = arith.constant 0 : i32
      %dma_wait3A_155 = tpu.memref_slice %arg14[%dma_wait3A_153, %dma_wait3A_154] : memref<72x128xf32, #tpu.memory_space<vmem>> -> memref<56x128xf32, #tpu.memory_space<vmem>>
      tpu.wait_dma2 semaphore(%run_scoped3A : memref<!tpu.dma_semaphore, #tpu.memory_space<semaphore_mem>>) src(%dma_wait3A_155 : memref<56x128xf32, #tpu.memory_space<vmem>>) dst(%dma_wait3A_152 : memref<56x128xf32, #tpu.memory_space<vmem_shared>>)
      tpu.yield
    }) : () -> ()
    %add3A_52 = arith.constant 512 : i32
    %add3A_53 = arith.addi %mul3A_27, %add3A_52 : i32
    "tpu.region"() ({
      %run_scoped3A = tpu.sem_alloc : memref<!tpu.dma_semaphore, #tpu.memory_space<semaphore_mem>>
      %dma_start3A_136 = arith.constant 0 : i32
      %dma_start3A_137 = tpu.memref_slice %arg15[%add3A_53, %dma_start3A_136] : memref<10240x128xf32, #tpu.memory_space<vmem_shared>> -> memref<72x128xf32, #tpu.memory_space<vmem_shared>>
      %dma_start3A_138 = arith.constant 0 : i32
      %dma_start3A_139 = tpu.memref_slice %arg15[%add3A_53, %dma_start3A_138] : memref<10240x128xf32, #tpu.memory_space<vmem_shared>> -> memref<72x128xf32, #tpu.memory_space<vmem_shared>>
      tpu.enqueue_dma source(%arg13 : memref<72x128xf32, #tpu.memory_space<vmem>>) target(%dma_start3A_139 : memref<72x128xf32, #tpu.memory_space<vmem_shared>>) target_semaphore(%run_scoped3A : memref<!tpu.dma_semaphore, #tpu.memory_space<semaphore_mem>>)
      %dma_wait3A_140 = arith.constant 0 : i32
      %dma_wait3A_141 = tpu.memref_slice %arg15[%add3A_53, %dma_wait3A_140] : memref<10240x128xf32, #tpu.memory_space<vmem_shared>> -> memref<72x128xf32, #tpu.memory_space<vmem_shared>>
      %dma_wait3A_142 = arith.constant 0 : i32
      %dma_wait3A_143 = tpu.memref_slice %arg15[%add3A_53, %dma_wait3A_142] : memref<10240x128xf32, #tpu.memory_space<vmem_shared>> -> memref<72x128xf32, #tpu.memory_space<vmem_shared>>
      tpu.wait_dma2 semaphore(%run_scoped3A : memref<!tpu.dma_semaphore, #tpu.memory_space<semaphore_mem>>) src(%arg13 : memref<72x128xf32, #tpu.memory_space<vmem>>) dst(%dma_wait3A_143 : memref<72x128xf32, #tpu.memory_space<vmem_shared>>)
      tpu.yield
    }) : () -> ()
    %add3A_54 = arith.constant 512 : i32
    %add3A_55 = arith.addi %mul3A_27, %add3A_54 : i32
    %add3A_56 = arith.constant 72 : i32
    %add3A_57 = arith.addi %add3A_55, %add3A_56 : i32
    "tpu.region"() ({
      %run_scoped3A = tpu.sem_alloc : memref<!tpu.dma_semaphore, #tpu.memory_space<semaphore_mem>>
      %dma_start3A_136 = arith.constant 0 : i32
      %dma_start3A_137 = arith.constant 0 : i32
      %dma_start3A_138 = tpu.memref_slice %arg14[%dma_start3A_136, %dma_start3A_137] : memref<72x128xf32, #tpu.memory_space<vmem>> -> memref<56x128xf32, #tpu.memory_space<vmem>>
      %dma_start3A_139 = arith.constant 0 : i32
      %dma_start3A_140 = tpu.memref_slice %arg15[%add3A_57, %dma_start3A_139] : memref<10240x128xf32, #tpu.memory_space<vmem_shared>> -> memref<56x128xf32, #tpu.memory_space<vmem_shared>>
      %dma_start3A_141 = arith.constant 0 : i32
      %dma_start3A_142 = tpu.memref_slice %arg15[%add3A_57, %dma_start3A_141] : memref<10240x128xf32, #tpu.memory_space<vmem_shared>> -> memref<56x128xf32, #tpu.memory_space<vmem_shared>>
      %dma_start3A_143 = arith.constant 0 : i32
      %dma_start3A_144 = arith.constant 0 : i32
      %dma_start3A_145 = tpu.memref_slice %arg14[%dma_start3A_143, %dma_start3A_144] : memref<72x128xf32, #tpu.memory_space<vmem>> -> memref<56x128xf32, #tpu.memory_space<vmem>>
      tpu.enqueue_dma source(%dma_start3A_145 : memref<56x128xf32, #tpu.memory_space<vmem>>) target(%dma_start3A_142 : memref<56x128xf32, #tpu.memory_space<vmem_shared>>) target_semaphore(%run_scoped3A : memref<!tpu.dma_semaphore, #tpu.memory_space<semaphore_mem>>)
      %dma_wait3A_146 = arith.constant 0 : i32
      %dma_wait3A_147 = arith.constant 0 : i32
      %dma_wait3A_148 = tpu.memref_slice %arg14[%dma_wait3A_146, %dma_wait3A_147] : memref<72x128xf32, #tpu.memory_space<vmem>> -> memref<56x128xf32, #tpu.memory_space<vmem>>
      %dma_wait3A_149 = arith.constant 0 : i32
      %dma_wait3A_150 = tpu.memref_slice %arg15[%add3A_57, %dma_wait3A_149] : memref<10240x128xf32, #tpu.memory_space<vmem_shared>> -> memref<56x128xf32, #tpu.memory_space<vmem_shared>>
      %dma_wait3A_151 = arith.constant 0 : i32
      %dma_wait3A_152 = tpu.memref_slice %arg15[%add3A_57, %dma_wait3A_151] : memref<10240x128xf32, #tpu.memory_space<vmem_shared>> -> memref<56x128xf32, #tpu.memory_space<vmem_shared>>
      %dma_wait3A_153 = arith.constant 0 : i32
      %dma_wait3A_154 = arith.constant 0 : i32
      %dma_wait3A_155 = tpu.memref_slice %arg14[%dma_wait3A_153, %dma_wait3A_154] : memref<72x128xf32, #tpu.memory_space<vmem>> -> memref<56x128xf32, #tpu.memory_space<vmem>>
      tpu.wait_dma2 semaphore(%run_scoped3A : memref<!tpu.dma_semaphore, #tpu.memory_space<semaphore_mem>>) src(%dma_wait3A_155 : memref<56x128xf32, #tpu.memory_space<vmem>>) dst(%dma_wait3A_152 : memref<56x128xf32, #tpu.memory_space<vmem_shared>>)
      tpu.yield
    }) : () -> ()
    %barrier3A = arith.constant 0 : index
    tpu.barrier barrier_id(%barrier3A)
    %add3A_58 = arith.constant 144 : i32
    %add3A_59 = arith.addi %mul3A_2, %add3A_58 : i32
    %dma_start3A_60 = tpu.memref_slice %arg3[%add3A_59] : memref<322560xi32, #tpu.memory_space<hbm>> -> memref<72xi32, #tpu.memory_space<hbm>>
    %dma_start3A_61 = tpu.memref_slice %arg3[%add3A_59] : memref<322560xi32, #tpu.memory_space<hbm>> -> memref<72xi32, #tpu.memory_space<hbm>>
    tpu.enqueue_dma source(%dma_start3A_61 : memref<72xi32, #tpu.memory_space<hbm>>) target(%arg9 : memref<72xi32, #tpu.memory_space<vmem>>) target_semaphore(%arg18 : memref<!tpu.dma_semaphore, #tpu.memory_space<semaphore_mem>>)
    %dma_start3A_62 = arith.constant 144 : i32
    %dma_start3A_63 = tpu.memref_slice %arg6[%dma_start3A_62] : memref<10080xi32, #tpu.memory_space<vmem>> -> memref<72xi32, #tpu.memory_space<vmem>>
    %dma_start3A_64 = arith.constant 0 : i32
    %dma_start3A_65 = arith.constant 0 : i32
    %dma_start3A_66 = tpu.memref_slice %arg4[%dma_start3A_64, %dma_start3A_65] : memref<10000x128xf32, #tpu.memory_space<hbm>> -> memref<10000x128xf32, #tpu.memory_space<hbm>>
    tpu.enqueue_indirect_dma source(%dma_start3A_66 : memref<10000x128xf32, #tpu.memory_space<hbm>>) target(%arg13 : memref<72x128xf32, #tpu.memory_space<vmem>>) offsets(%dma_start3A_63 : memref<72xi32, #tpu.memory_space<vmem>>) semaphore(%arg22 : memref<!tpu.dma_semaphore, #tpu.memory_space<semaphore_mem>>)
    %add3A_67 = arith.constant 216 : i32
    %add3A_68 = arith.addi %mul3A_2, %add3A_67 : i32
    %dma_start3A_69 = tpu.memref_slice %arg3[%add3A_68] : memref<322560xi32, #tpu.memory_space<hbm>> -> memref<72xi32, #tpu.memory_space<hbm>>
    %dma_start3A_70 = tpu.memref_slice %arg3[%add3A_68] : memref<322560xi32, #tpu.memory_space<hbm>> -> memref<72xi32, #tpu.memory_space<hbm>>
    tpu.enqueue_dma source(%dma_start3A_70 : memref<72xi32, #tpu.memory_space<hbm>>) target(%arg10 : memref<72xi32, #tpu.memory_space<vmem>>) target_semaphore(%arg19 : memref<!tpu.dma_semaphore, #tpu.memory_space<semaphore_mem>>)
    %dma_start3A_71 = arith.constant 216 : i32
    %dma_start3A_72 = tpu.memref_slice %arg6[%dma_start3A_71] : memref<10080xi32, #tpu.memory_space<vmem>> -> memref<72xi32, #tpu.memory_space<vmem>>
    %dma_start3A_73 = arith.constant 0 : i32
    %dma_start3A_74 = arith.constant 0 : i32
    %dma_start3A_75 = tpu.memref_slice %arg4[%dma_start3A_73, %dma_start3A_74] : memref<10000x128xf32, #tpu.memory_space<hbm>> -> memref<10000x128xf32, #tpu.memory_space<hbm>>
    tpu.enqueue_indirect_dma source(%dma_start3A_75 : memref<10000x128xf32, #tpu.memory_space<hbm>>) target(%arg14 : memref<72x128xf32, #tpu.memory_space<vmem>>) offsets(%dma_start3A_72 : memref<72xi32, #tpu.memory_space<vmem>>) semaphore(%arg23 : memref<!tpu.dma_semaphore, #tpu.memory_space<semaphore_mem>>)
    %scan3A_76 = arith.constant 0 : i32
    %scan3A_77 = arith.constant 0 : i32
    %scan3A_78 = arith.constant 34 : i32
    %scan3A_79 = arith.addi %scan3A_77, %scan3A_78 : i32
    %scan3A_80 = arith.constant 1 : i32
    scf.for %scan3A_136 = %scan3A_77 to %scan3A_79 step %scan3A_80  : i32 {
      %mul3A_137 = arith.constant 4 : i32
      %mul3A_138 = arith.muli %mul3A_137, %scan3A_136 : i32
      %dma_wait3A_139 = tpu.memref_slice %arg3[%mul3A_2] : memref<322560xi32, #tpu.memory_space<hbm>> -> memref<72xi32, #tpu.memory_space<hbm>>
      %dma_wait3A_140 = tpu.memref_slice %arg3[%mul3A_2] : memref<322560xi32, #tpu.memory_space<hbm>> -> memref<72xi32, #tpu.memory_space<hbm>>
      tpu.wait_dma2 semaphore(%arg16 : memref<!tpu.dma_semaphore, #tpu.memory_space<semaphore_mem>>) src(%dma_wait3A_140 : memref<72xi32, #tpu.memory_space<hbm>>) dst(%arg7 : memref<72xi32, #tpu.memory_space<vmem>>)
      %dma_wait3A_141 = arith.constant 0 : i32
      %dma_wait3A_142 = tpu.memref_slice %arg6[%dma_wait3A_141] : memref<10080xi32, #tpu.memory_space<vmem>> -> memref<72xi32, #tpu.memory_space<vmem>>
      %dma_wait3A_143 = arith.constant 0 : i32
      %dma_wait3A_144 = arith.constant 0 : i32
      %dma_wait3A_145 = tpu.memref_slice %arg4[%dma_wait3A_143, %dma_wait3A_144] : memref<10000x128xf32, #tpu.memory_space<hbm>> -> memref<10000x128xf32, #tpu.memory_space<hbm>>
      tpu.wait_indirect_dma semaphore(%arg20 : memref<!tpu.dma_semaphore, #tpu.memory_space<semaphore_mem>>) src(%dma_wait3A_145 : memref<10000x128xf32, #tpu.memory_space<hbm>>) dst(%arg11 : memref<72x128xf32, #tpu.memory_space<vmem>>)
      %dma_start3A_146 = arith.constant 0 : i32
      %dma_start3A_147 = arith.constant 0 : i32
      %dma_start3A_148 = tpu.memref_slice %arg15[%dma_start3A_146, %dma_start3A_147] : memref<10240x128xf32, #tpu.memory_space<vmem_shared>> -> memref<10240x128xf32, #tpu.memory_space<vmem_shared>>
      tpu.enqueue_indirect_dma source(%arg11 : memref<72x128xf32, #tpu.memory_space<vmem>>) target(%dma_start3A_148 : memref<10240x128xf32, #tpu.memory_space<vmem_shared>>) offsets(%arg7 : memref<72xi32, #tpu.memory_space<vmem>>) semaphore(%arg24 : memref<!tpu.dma_semaphore, #tpu.memory_space<semaphore_mem>>) {add = true}
      %dma_wait3A_149 = arith.constant 0 : i32
      %dma_wait3A_150 = arith.constant 0 : i32
      %dma_wait3A_151 = tpu.memref_slice %arg15[%dma_wait3A_149, %dma_wait3A_150] : memref<10240x128xf32, #tpu.memory_space<vmem_shared>> -> memref<10240x128xf32, #tpu.memory_space<vmem_shared>>
      tpu.wait_indirect_dma semaphore(%arg24 : memref<!tpu.dma_semaphore, #tpu.memory_space<semaphore_mem>>) src(%arg11 : memref<72x128xf32, #tpu.memory_space<vmem>>) dst(%dma_wait3A_151 : memref<10240x128xf32, #tpu.memory_space<vmem_shared>>)
      %add3A_152 = arith.constant 0 : i32
      %add3A_153 = arith.addi %mul3A_138, %add3A_152 : i32
      %add3A_154 = arith.constant 4 : i32
      %add3A_155 = arith.addi %add3A_153, %add3A_154 : i32
      %mul3A_156 = arith.constant 72 : i32
      %mul3A_157 = arith.muli %add3A_155, %mul3A_156 : i32
      %add3A_158 = arith.addi %mul3A_2, %mul3A_157 : i32
      %dma_start3A_159 = tpu.memref_slice %arg3[%add3A_158] : memref<322560xi32, #tpu.memory_space<hbm>> -> memref<72xi32, #tpu.memory_space<hbm>>
      %dma_start3A_160 = tpu.memref_slice %arg3[%add3A_158] : memref<322560xi32, #tpu.memory_space<hbm>> -> memref<72xi32, #tpu.memory_space<hbm>>
      tpu.enqueue_dma source(%dma_start3A_160 : memref<72xi32, #tpu.memory_space<hbm>>) target(%arg7 : memref<72xi32, #tpu.memory_space<vmem>>) target_semaphore(%arg16 : memref<!tpu.dma_semaphore, #tpu.memory_space<semaphore_mem>>)
      %dma_start3A_161 = tpu.memref_slice %arg6[%mul3A_157] : memref<10080xi32, #tpu.memory_space<vmem>> -> memref<72xi32, #tpu.memory_space<vmem>>
      %dma_start3A_162 = arith.constant 0 : i32
      %dma_start3A_163 = arith.constant 0 : i32
      %dma_start3A_164 = tpu.memref_slice %arg4[%dma_start3A_162, %dma_start3A_163] : memref<10000x128xf32, #tpu.memory_space<hbm>> -> memref<10000x128xf32, #tpu.memory_space<hbm>>
      tpu.enqueue_indirect_dma source(%dma_start3A_164 : memref<10000x128xf32, #tpu.memory_space<hbm>>) target(%arg11 : memref<72x128xf32, #tpu.memory_space<vmem>>) offsets(%dma_start3A_161 : memref<72xi32, #tpu.memory_space<vmem>>) semaphore(%arg20 : memref<!tpu.dma_semaphore, #tpu.memory_space<semaphore_mem>>)
      %dma_wait3A_165 = tpu.memref_slice %arg3[%mul3A_2] : memref<322560xi32, #tpu.memory_space<hbm>> -> memref<72xi32, #tpu.memory_space<hbm>>
      %dma_wait3A_166 = tpu.memref_slice %arg3[%mul3A_2] : memref<322560xi32, #tpu.memory_space<hbm>> -> memref<72xi32, #tpu.memory_space<hbm>>
      tpu.wait_dma2 semaphore(%arg17 : memref<!tpu.dma_semaphore, #tpu.memory_space<semaphore_mem>>) src(%dma_wait3A_166 : memref<72xi32, #tpu.memory_space<hbm>>) dst(%arg8 : memref<72xi32, #tpu.memory_space<vmem>>)
      %dma_wait3A_167 = arith.constant 0 : i32
      %dma_wait3A_168 = tpu.memref_slice %arg6[%dma_wait3A_167] : memref<10080xi32, #tpu.memory_space<vmem>> -> memref<72xi32, #tpu.memory_space<vmem>>
      %dma_wait3A_169 = arith.constant 0 : i32
      %dma_wait3A_170 = arith.constant 0 : i32
      %dma_wait3A_171 = tpu.memref_slice %arg4[%dma_wait3A_169, %dma_wait3A_170] : memref<10000x128xf32, #tpu.memory_space<hbm>> -> memref<10000x128xf32, #tpu.memory_space<hbm>>
      tpu.wait_indirect_dma semaphore(%arg21 : memref<!tpu.dma_semaphore, #tpu.memory_space<semaphore_mem>>) src(%dma_wait3A_171 : memref<10000x128xf32, #tpu.memory_space<hbm>>) dst(%arg12 : memref<72x128xf32, #tpu.memory_space<vmem>>)
      %dma_start3A_172 = arith.constant 0 : i32
      %dma_start3A_173 = arith.constant 0 : i32
      %dma_start3A_174 = tpu.memref_slice %arg15[%dma_start3A_172, %dma_start3A_173] : memref<10240x128xf32, #tpu.memory_space<vmem_shared>> -> memref<10240x128xf32, #tpu.memory_space<vmem_shared>>
      tpu.enqueue_indirect_dma source(%arg12 : memref<72x128xf32, #tpu.memory_space<vmem>>) target(%dma_start3A_174 : memref<10240x128xf32, #tpu.memory_space<vmem_shared>>) offsets(%arg8 : memref<72xi32, #tpu.memory_space<vmem>>) semaphore(%arg25 : memref<!tpu.dma_semaphore, #tpu.memory_space<semaphore_mem>>) {add = true}
      %dma_wait3A_175 = arith.constant 0 : i32
      %dma_wait3A_176 = arith.constant 0 : i32
      %dma_wait3A_177 = tpu.memref_slice %arg15[%dma_wait3A_175, %dma_wait3A_176] : memref<10240x128xf32, #tpu.memory_space<vmem_shared>> -> memref<10240x128xf32, #tpu.memory_space<vmem_shared>>
      tpu.wait_indirect_dma semaphore(%arg25 : memref<!tpu.dma_semaphore, #tpu.memory_space<semaphore_mem>>) src(%arg12 : memref<72x128xf32, #tpu.memory_space<vmem>>) dst(%dma_wait3A_177 : memref<10240x128xf32, #tpu.memory_space<vmem_shared>>)
      %add3A_178 = arith.constant 1 : i32
      %add3A_179 = arith.addi %mul3A_138, %add3A_178 : i32
      %add3A_180 = arith.constant 4 : i32
      %add3A_181 = arith.addi %add3A_179, %add3A_180 : i32
      %mul3A_182 = arith.constant 72 : i32
      %mul3A_183 = arith.muli %add3A_181, %mul3A_182 : i32
      %add3A_184 = arith.addi %mul3A_2, %mul3A_183 : i32
      %dma_start3A_185 = tpu.memref_slice %arg3[%add3A_184] : memref<322560xi32, #tpu.memory_space<hbm>> -> memref<72xi32, #tpu.memory_space<hbm>>
      %dma_start3A_186 = tpu.memref_slice %arg3[%add3A_184] : memref<322560xi32, #tpu.memory_space<hbm>> -> memref<72xi32, #tpu.memory_space<hbm>>
      tpu.enqueue_dma source(%dma_start3A_186 : memref<72xi32, #tpu.memory_space<hbm>>) target(%arg8 : memref<72xi32, #tpu.memory_space<vmem>>) target_semaphore(%arg17 : memref<!tpu.dma_semaphore, #tpu.memory_space<semaphore_mem>>)
      %dma_start3A_187 = tpu.memref_slice %arg6[%mul3A_183] : memref<10080xi32, #tpu.memory_space<vmem>> -> memref<72xi32, #tpu.memory_space<vmem>>
      %dma_start3A_188 = arith.constant 0 : i32
      %dma_start3A_189 = arith.constant 0 : i32
      %dma_start3A_190 = tpu.memref_slice %arg4[%dma_start3A_188, %dma_start3A_189] : memref<10000x128xf32, #tpu.memory_space<hbm>> -> memref<10000x128xf32, #tpu.memory_space<hbm>>
      tpu.enqueue_indirect_dma source(%dma_start3A_190 : memref<10000x128xf32, #tpu.memory_space<hbm>>) target(%arg12 : memref<72x128xf32, #tpu.memory_space<vmem>>) offsets(%dma_start3A_187 : memref<72xi32, #tpu.memory_space<vmem>>) semaphore(%arg21 : memref<!tpu.dma_semaphore, #tpu.memory_space<semaphore_mem>>)
      %dma_wait3A_191 = tpu.memref_slice %arg3[%mul3A_2] : memref<322560xi32, #tpu.memory_space<hbm>> -> memref<72xi32, #tpu.memory_space<hbm>>
      %dma_wait3A_192 = tpu.memref_slice %arg3[%mul3A_2] : memref<322560xi32, #tpu.memory_space<hbm>> -> memref<72xi32, #tpu.memory_space<hbm>>
      tpu.wait_dma2 semaphore(%arg18 : memref<!tpu.dma_semaphore, #tpu.memory_space<semaphore_mem>>) src(%dma_wait3A_192 : memref<72xi32, #tpu.memory_space<hbm>>) dst(%arg9 : memref<72xi32, #tpu.memory_space<vmem>>)
      %dma_wait3A_193 = arith.constant 0 : i32
      %dma_wait3A_194 = tpu.memref_slice %arg6[%dma_wait3A_193] : memref<10080xi32, #tpu.memory_space<vmem>> -> memref<72xi32, #tpu.memory_space<vmem>>
      %dma_wait3A_195 = arith.constant 0 : i32
      %dma_wait3A_196 = arith.constant 0 : i32
      %dma_wait3A_197 = tpu.memref_slice %arg4[%dma_wait3A_195, %dma_wait3A_196] : memref<10000x128xf32, #tpu.memory_space<hbm>> -> memref<10000x128xf32, #tpu.memory_space<hbm>>
      tpu.wait_indirect_dma semaphore(%arg22 : memref<!tpu.dma_semaphore, #tpu.memory_space<semaphore_mem>>) src(%dma_wait3A_197 : memref<10000x128xf32, #tpu.memory_space<hbm>>) dst(%arg13 : memref<72x128xf32, #tpu.memory_space<vmem>>)
      %dma_start3A_198 = arith.constant 0 : i32
      %dma_start3A_199 = arith.constant 0 : i32
      %dma_start3A_200 = tpu.memref_slice %arg15[%dma_start3A_198, %dma_start3A_199] : memref<10240x128xf32, #tpu.memory_space<vmem_shared>> -> memref<10240x128xf32, #tpu.memory_space<vmem_shared>>
      tpu.enqueue_indirect_dma source(%arg13 : memref<72x128xf32, #tpu.memory_space<vmem>>) target(%dma_start3A_200 : memref<10240x128xf32, #tpu.memory_space<vmem_shared>>) offsets(%arg9 : memref<72xi32, #tpu.memory_space<vmem>>) semaphore(%arg26 : memref<!tpu.dma_semaphore, #tpu.memory_space<semaphore_mem>>) {add = true}
      %dma_wait3A_201 = arith.constant 0 : i32
      %dma_wait3A_202 = arith.constant 0 : i32
      %dma_wait3A_203 = tpu.memref_slice %arg15[%dma_wait3A_201, %dma_wait3A_202] : memref<10240x128xf32, #tpu.memory_space<vmem_shared>> -> memref<10240x128xf32, #tpu.memory_space<vmem_shared>>
      tpu.wait_indirect_dma semaphore(%arg26 : memref<!tpu.dma_semaphore, #tpu.memory_space<semaphore_mem>>) src(%arg13 : memref<72x128xf32, #tpu.memory_space<vmem>>) dst(%dma_wait3A_203 : memref<10240x128xf32, #tpu.memory_space<vmem_shared>>)
      %add3A_204 = arith.constant 2 : i32
      %add3A_205 = arith.addi %mul3A_138, %add3A_204 : i32
      %add3A_206 = arith.constant 4 : i32
      %add3A_207 = arith.addi %add3A_205, %add3A_206 : i32
      %mul3A_208 = arith.constant 72 : i32
      %mul3A_209 = arith.muli %add3A_207, %mul3A_208 : i32
      %add3A_210 = arith.addi %mul3A_2, %mul3A_209 : i32
      %dma_start3A_211 = tpu.memref_slice %arg3[%add3A_210] : memref<322560xi32, #tpu.memory_space<hbm>> -> memref<72xi32, #tpu.memory_space<hbm>>
      %dma_start3A_212 = tpu.memref_slice %arg3[%add3A_210] : memref<322560xi32, #tpu.memory_space<hbm>> -> memref<72xi32, #tpu.memory_space<hbm>>
      tpu.enqueue_dma source(%dma_start3A_212 : memref<72xi32, #tpu.memory_space<hbm>>) target(%arg9 : memref<72xi32, #tpu.memory_space<vmem>>) target_semaphore(%arg18 : memref<!tpu.dma_semaphore, #tpu.memory_space<semaphore_mem>>)
      %dma_start3A_213 = tpu.memref_slice %arg6[%mul3A_209] : memref<10080xi32, #tpu.memory_space<vmem>> -> memref<72xi32, #tpu.memory_space<vmem>>
      %dma_start3A_214 = arith.constant 0 : i32
      %dma_start3A_215 = arith.constant 0 : i32
      %dma_start3A_216 = tpu.memref_slice %arg4[%dma_start3A_214, %dma_start3A_215] : memref<10000x128xf32, #tpu.memory_space<hbm>> -> memref<10000x128xf32, #tpu.memory_space<hbm>>
      tpu.enqueue_indirect_dma source(%dma_start3A_216 : memref<10000x128xf32, #tpu.memory_space<hbm>>) target(%arg13 : memref<72x128xf32, #tpu.memory_space<vmem>>) offsets(%dma_start3A_213 : memref<72xi32, #tpu.memory_space<vmem>>) semaphore(%arg22 : memref<!tpu.dma_semaphore, #tpu.memory_space<semaphore_mem>>)
      %dma_wait3A_217 = tpu.memref_slice %arg3[%mul3A_2] : memref<322560xi32, #tpu.memory_space<hbm>> -> memref<72xi32, #tpu.memory_space<hbm>>
      %dma_wait3A_218 = tpu.memref_slice %arg3[%mul3A_2] : memref<322560xi32, #tpu.memory_space<hbm>> -> memref<72xi32, #tpu.memory_space<hbm>>
      tpu.wait_dma2 semaphore(%arg19 : memref<!tpu.dma_semaphore, #tpu.memory_space<semaphore_mem>>) src(%dma_wait3A_218 : memref<72xi32, #tpu.memory_space<hbm>>) dst(%arg10 : memref<72xi32, #tpu.memory_space<vmem>>)
      %dma_wait3A_219 = arith.constant 0 : i32
      %dma_wait3A_220 = tpu.memref_slice %arg6[%dma_wait3A_219] : memref<10080xi32, #tpu.memory_space<vmem>> -> memref<72xi32, #tpu.memory_space<vmem>>
      %dma_wait3A_221 = arith.constant 0 : i32
      %dma_wait3A_222 = arith.constant 0 : i32
      %dma_wait3A_223 = tpu.memref_slice %arg4[%dma_wait3A_221, %dma_wait3A_222] : memref<10000x128xf32, #tpu.memory_space<hbm>> -> memref<10000x128xf32, #tpu.memory_space<hbm>>
      tpu.wait_indirect_dma semaphore(%arg23 : memref<!tpu.dma_semaphore, #tpu.memory_space<semaphore_mem>>) src(%dma_wait3A_223 : memref<10000x128xf32, #tpu.memory_space<hbm>>) dst(%arg14 : memref<72x128xf32, #tpu.memory_space<vmem>>)
      %dma_start3A_224 = arith.constant 0 : i32
      %dma_start3A_225 = arith.constant 0 : i32
      %dma_start3A_226 = tpu.memref_slice %arg15[%dma_start3A_224, %dma_start3A_225] : memref<10240x128xf32, #tpu.memory_space<vmem_shared>> -> memref<10240x128xf32, #tpu.memory_space<vmem_shared>>
      tpu.enqueue_indirect_dma source(%arg14 : memref<72x128xf32, #tpu.memory_space<vmem>>) target(%dma_start3A_226 : memref<10240x128xf32, #tpu.memory_space<vmem_shared>>) offsets(%arg10 : memref<72xi32, #tpu.memory_space<vmem>>) semaphore(%arg27 : memref<!tpu.dma_semaphore, #tpu.memory_space<semaphore_mem>>) {add = true}
      %dma_wait3A_227 = arith.constant 0 : i32
      %dma_wait3A_228 = arith.constant 0 : i32
      %dma_wait3A_229 = tpu.memref_slice %arg15[%dma_wait3A_227, %dma_wait3A_228] : memref<10240x128xf32, #tpu.memory_space<vmem_shared>> -> memref<10240x128xf32, #tpu.memory_space<vmem_shared>>
      tpu.wait_indirect_dma semaphore(%arg27 : memref<!tpu.dma_semaphore, #tpu.memory_space<semaphore_mem>>) src(%arg14 : memref<72x128xf32, #tpu.memory_space<vmem>>) dst(%dma_wait3A_229 : memref<10240x128xf32, #tpu.memory_space<vmem_shared>>)
      %add3A_230 = arith.constant 3 : i32
      %add3A_231 = arith.addi %mul3A_138, %add3A_230 : i32
      %add3A_232 = arith.constant 4 : i32
      %add3A_233 = arith.addi %add3A_231, %add3A_232 : i32
      %mul3A_234 = arith.constant 72 : i32
      %mul3A_235 = arith.muli %add3A_233, %mul3A_234 : i32
      %add3A_236 = arith.addi %mul3A_2, %mul3A_235 : i32
      %dma_start3A_237 = tpu.memref_slice %arg3[%add3A_236] : memref<322560xi32, #tpu.memory_space<hbm>> -> memref<72xi32, #tpu.memory_space<hbm>>
      %dma_start3A_238 = tpu.memref_slice %arg3[%add3A_236] : memref<322560xi32, #tpu.memory_space<hbm>> -> memref<72xi32, #tpu.memory_space<hbm>>
      tpu.enqueue_dma source(%dma_start3A_238 : memref<72xi32, #tpu.memory_space<hbm>>) target(%arg10 : memref<72xi32, #tpu.memory_space<vmem>>) target_semaphore(%arg19 : memref<!tpu.dma_semaphore, #tpu.memory_space<semaphore_mem>>)
      %dma_start3A_239 = tpu.memref_slice %arg6[%mul3A_235] : memref<10080xi32, #tpu.memory_space<vmem>> -> memref<72xi32, #tpu.memory_space<vmem>>
      %dma_start3A_240 = arith.constant 0 : i32
      %dma_start3A_241 = arith.constant 0 : i32
      %dma_start3A_242 = tpu.memref_slice %arg4[%dma_start3A_240, %dma_start3A_241] : memref<10000x128xf32, #tpu.memory_space<hbm>> -> memref<10000x128xf32, #tpu.memory_space<hbm>>
      tpu.enqueue_indirect_dma source(%dma_start3A_242 : memref<10000x128xf32, #tpu.memory_space<hbm>>) target(%arg14 : memref<72x128xf32, #tpu.memory_space<vmem>>) offsets(%dma_start3A_239 : memref<72xi32, #tpu.memory_space<vmem>>) semaphore(%arg23 : memref<!tpu.dma_semaphore, #tpu.memory_space<semaphore_mem>>)
    }
    %scan3A_81 = arith.constant 34 : i32
    %dma_wait3A = tpu.memref_slice %arg3[%mul3A_2] : memref<322560xi32, #tpu.memory_space<hbm>> -> memref<72xi32, #tpu.memory_space<hbm>>
    %dma_wait3A_82 = tpu.memref_slice %arg3[%mul3A_2] : memref<322560xi32, #tpu.memory_space<hbm>> -> memref<72xi32, #tpu.memory_space<hbm>>
    tpu.wait_dma2 semaphore(%arg16 : memref<!tpu.dma_semaphore, #tpu.memory_space<semaphore_mem>>) src(%dma_wait3A_82 : memref<72xi32, #tpu.memory_space<hbm>>) dst(%arg7 : memref<72xi32, #tpu.memory_space<vmem>>)
    %dma_wait3A_83 = arith.constant 0 : i32
    %dma_wait3A_84 = tpu.memref_slice %arg6[%dma_wait3A_83] : memref<10080xi32, #tpu.memory_space<vmem>> -> memref<72xi32, #tpu.memory_space<vmem>>
    %dma_wait3A_85 = arith.constant 0 : i32
    %dma_wait3A_86 = arith.constant 0 : i32
    %dma_wait3A_87 = tpu.memref_slice %arg4[%dma_wait3A_85, %dma_wait3A_86] : memref<10000x128xf32, #tpu.memory_space<hbm>> -> memref<10000x128xf32, #tpu.memory_space<hbm>>
    tpu.wait_indirect_dma semaphore(%arg20 : memref<!tpu.dma_semaphore, #tpu.memory_space<semaphore_mem>>) src(%dma_wait3A_87 : memref<10000x128xf32, #tpu.memory_space<hbm>>) dst(%arg11 : memref<72x128xf32, #tpu.memory_space<vmem>>)
    %dma_start3A_88 = arith.constant 0 : i32
    %dma_start3A_89 = arith.constant 0 : i32
    %dma_start3A_90 = tpu.memref_slice %arg15[%dma_start3A_88, %dma_start3A_89] : memref<10240x128xf32, #tpu.memory_space<vmem_shared>> -> memref<10240x128xf32, #tpu.memory_space<vmem_shared>>
    tpu.enqueue_indirect_dma source(%arg11 : memref<72x128xf32, #tpu.memory_space<vmem>>) target(%dma_start3A_90 : memref<10240x128xf32, #tpu.memory_space<vmem_shared>>) offsets(%arg7 : memref<72xi32, #tpu.memory_space<vmem>>) semaphore(%arg24 : memref<!tpu.dma_semaphore, #tpu.memory_space<semaphore_mem>>) {add = true}
    %dma_wait3A_91 = tpu.memref_slice %arg3[%mul3A_2] : memref<322560xi32, #tpu.memory_space<hbm>> -> memref<72xi32, #tpu.memory_space<hbm>>
    %dma_wait3A_92 = tpu.memref_slice %arg3[%mul3A_2] : memref<322560xi32, #tpu.memory_space<hbm>> -> memref<72xi32, #tpu.memory_space<hbm>>
    tpu.wait_dma2 semaphore(%arg17 : memref<!tpu.dma_semaphore, #tpu.memory_space<semaphore_mem>>) src(%dma_wait3A_92 : memref<72xi32, #tpu.memory_space<hbm>>) dst(%arg8 : memref<72xi32, #tpu.memory_space<vmem>>)
    %dma_wait3A_93 = arith.constant 0 : i32
    %dma_wait3A_94 = tpu.memref_slice %arg6[%dma_wait3A_93] : memref<10080xi32, #tpu.memory_space<vmem>> -> memref<72xi32, #tpu.memory_space<vmem>>
    %dma_wait3A_95 = arith.constant 0 : i32
    %dma_wait3A_96 = arith.constant 0 : i32
    %dma_wait3A_97 = tpu.memref_slice %arg4[%dma_wait3A_95, %dma_wait3A_96] : memref<10000x128xf32, #tpu.memory_space<hbm>> -> memref<10000x128xf32, #tpu.memory_space<hbm>>
    tpu.wait_indirect_dma semaphore(%arg21 : memref<!tpu.dma_semaphore, #tpu.memory_space<semaphore_mem>>) src(%dma_wait3A_97 : memref<10000x128xf32, #tpu.memory_space<hbm>>) dst(%arg12 : memref<72x128xf32, #tpu.memory_space<vmem>>)
    %dma_start3A_98 = arith.constant 0 : i32
    %dma_start3A_99 = arith.constant 0 : i32
    %dma_start3A_100 = tpu.memref_slice %arg15[%dma_start3A_98, %dma_start3A_99] : memref<10240x128xf32, #tpu.memory_space<vmem_shared>> -> memref<10240x128xf32, #tpu.memory_space<vmem_shared>>
    tpu.enqueue_indirect_dma source(%arg12 : memref<72x128xf32, #tpu.memory_space<vmem>>) target(%dma_start3A_100 : memref<10240x128xf32, #tpu.memory_space<vmem_shared>>) offsets(%arg8 : memref<72xi32, #tpu.memory_space<vmem>>) semaphore(%arg25 : memref<!tpu.dma_semaphore, #tpu.memory_space<semaphore_mem>>) {add = true}
    %dma_wait3A_101 = tpu.memref_slice %arg3[%mul3A_2] : memref<322560xi32, #tpu.memory_space<hbm>> -> memref<72xi32, #tpu.memory_space<hbm>>
    %dma_wait3A_102 = tpu.memref_slice %arg3[%mul3A_2] : memref<322560xi32, #tpu.memory_space<hbm>> -> memref<72xi32, #tpu.memory_space<hbm>>
    tpu.wait_dma2 semaphore(%arg18 : memref<!tpu.dma_semaphore, #tpu.memory_space<semaphore_mem>>) src(%dma_wait3A_102 : memref<72xi32, #tpu.memory_space<hbm>>) dst(%arg9 : memref<72xi32, #tpu.memory_space<vmem>>)
    %dma_wait3A_103 = arith.constant 0 : i32
    %dma_wait3A_104 = tpu.memref_slice %arg6[%dma_wait3A_103] : memref<10080xi32, #tpu.memory_space<vmem>> -> memref<72xi32, #tpu.memory_space<vmem>>
    %dma_wait3A_105 = arith.constant 0 : i32
    %dma_wait3A_106 = arith.constant 0 : i32
    %dma_wait3A_107 = tpu.memref_slice %arg4[%dma_wait3A_105, %dma_wait3A_106] : memref<10000x128xf32, #tpu.memory_space<hbm>> -> memref<10000x128xf32, #tpu.memory_space<hbm>>
    tpu.wait_indirect_dma semaphore(%arg22 : memref<!tpu.dma_semaphore, #tpu.memory_space<semaphore_mem>>) src(%dma_wait3A_107 : memref<10000x128xf32, #tpu.memory_space<hbm>>) dst(%arg13 : memref<72x128xf32, #tpu.memory_space<vmem>>)
    %dma_start3A_108 = arith.constant 0 : i32
    %dma_start3A_109 = arith.constant 0 : i32
    %dma_start3A_110 = tpu.memref_slice %arg15[%dma_start3A_108, %dma_start3A_109] : memref<10240x128xf32, #tpu.memory_space<vmem_shared>> -> memref<10240x128xf32, #tpu.memory_space<vmem_shared>>
    tpu.enqueue_indirect_dma source(%arg13 : memref<72x128xf32, #tpu.memory_space<vmem>>) target(%dma_start3A_110 : memref<10240x128xf32, #tpu.memory_space<vmem_shared>>) offsets(%arg9 : memref<72xi32, #tpu.memory_space<vmem>>) semaphore(%arg26 : memref<!tpu.dma_semaphore, #tpu.memory_space<semaphore_mem>>) {add = true}
    %dma_wait3A_111 = tpu.memref_slice %arg3[%mul3A_2] : memref<322560xi32, #tpu.memory_space<hbm>> -> memref<72xi32, #tpu.memory_space<hbm>>
    %dma_wait3A_112 = tpu.memref_slice %arg3[%mul3A_2] : memref<322560xi32, #tpu.memory_space<hbm>> -> memref<72xi32, #tpu.memory_space<hbm>>
    tpu.wait_dma2 semaphore(%arg19 : memref<!tpu.dma_semaphore, #tpu.memory_space<semaphore_mem>>) src(%dma_wait3A_112 : memref<72xi32, #tpu.memory_space<hbm>>) dst(%arg10 : memref<72xi32, #tpu.memory_space<vmem>>)
    %dma_wait3A_113 = arith.constant 0 : i32
    %dma_wait3A_114 = tpu.memref_slice %arg6[%dma_wait3A_113] : memref<10080xi32, #tpu.memory_space<vmem>> -> memref<72xi32, #tpu.memory_space<vmem>>
    %dma_wait3A_115 = arith.constant 0 : i32
    %dma_wait3A_116 = arith.constant 0 : i32
    %dma_wait3A_117 = tpu.memref_slice %arg4[%dma_wait3A_115, %dma_wait3A_116] : memref<10000x128xf32, #tpu.memory_space<hbm>> -> memref<10000x128xf32, #tpu.memory_space<hbm>>
    tpu.wait_indirect_dma semaphore(%arg23 : memref<!tpu.dma_semaphore, #tpu.memory_space<semaphore_mem>>) src(%dma_wait3A_117 : memref<10000x128xf32, #tpu.memory_space<hbm>>) dst(%arg14 : memref<72x128xf32, #tpu.memory_space<vmem>>)
    %dma_start3A_118 = arith.constant 0 : i32
    %dma_start3A_119 = arith.constant 0 : i32
    %dma_start3A_120 = tpu.memref_slice %arg15[%dma_start3A_118, %dma_start3A_119] : memref<10240x128xf32, #tpu.memory_space<vmem_shared>> -> memref<10240x128xf32, #tpu.memory_space<vmem_shared>>
    tpu.enqueue_indirect_dma source(%arg14 : memref<72x128xf32, #tpu.memory_space<vmem>>) target(%dma_start3A_120 : memref<10240x128xf32, #tpu.memory_space<vmem_shared>>) offsets(%arg10 : memref<72xi32, #tpu.memory_space<vmem>>) semaphore(%arg27 : memref<!tpu.dma_semaphore, #tpu.memory_space<semaphore_mem>>) {add = true}
    %dma_wait3A_121 = arith.constant 0 : i32
    %dma_wait3A_122 = arith.constant 0 : i32
    %dma_wait3A_123 = tpu.memref_slice %arg15[%dma_wait3A_121, %dma_wait3A_122] : memref<10240x128xf32, #tpu.memory_space<vmem_shared>> -> memref<10240x128xf32, #tpu.memory_space<vmem_shared>>
    tpu.wait_indirect_dma semaphore(%arg24 : memref<!tpu.dma_semaphore, #tpu.memory_space<semaphore_mem>>) src(%arg11 : memref<72x128xf32, #tpu.memory_space<vmem>>) dst(%dma_wait3A_123 : memref<10240x128xf32, #tpu.memory_space<vmem_shared>>)
    %dma_wait3A_124 = arith.constant 0 : i32
    %dma_wait3A_125 = arith.constant 0 : i32
    %dma_wait3A_126 = tpu.memref_slice %arg15[%dma_wait3A_124, %dma_wait3A_125] : memref<10240x128xf32, #tpu.memory_space<vmem_shared>> -> memref<10240x128xf32, #tpu.memory_space<vmem_shared>>
    tpu.wait_indirect_dma semaphore(%arg25 : memref<!tpu.dma_semaphore, #tpu.memory_space<semaphore_mem>>) src(%arg12 : memref<72x128xf32, #tpu.memory_space<vmem>>) dst(%dma_wait3A_126 : memref<10240x128xf32, #tpu.memory_space<vmem_shared>>)
    %dma_wait3A_127 = arith.constant 0 : i32
    %dma_wait3A_128 = arith.constant 0 : i32
    %dma_wait3A_129 = tpu.memref_slice %arg15[%dma_wait3A_127, %dma_wait3A_128] : memref<10240x128xf32, #tpu.memory_space<vmem_shared>> -> memref<10240x128xf32, #tpu.memory_space<vmem_shared>>
    tpu.wait_indirect_dma semaphore(%arg26 : memref<!tpu.dma_semaphore, #tpu.memory_space<semaphore_mem>>) src(%arg13 : memref<72x128xf32, #tpu.memory_space<vmem>>) dst(%dma_wait3A_129 : memref<10240x128xf32, #tpu.memory_space<vmem_shared>>)
    %dma_wait3A_130 = arith.constant 0 : i32
    %dma_wait3A_131 = arith.constant 0 : i32
    %dma_wait3A_132 = tpu.memref_slice %arg15[%dma_wait3A_130, %dma_wait3A_131] : memref<10240x128xf32, #tpu.memory_space<vmem_shared>> -> memref<10240x128xf32, #tpu.memory_space<vmem_shared>>
    tpu.wait_indirect_dma semaphore(%arg27 : memref<!tpu.dma_semaphore, #tpu.memory_space<semaphore_mem>>) src(%arg14 : memref<72x128xf32, #tpu.memory_space<vmem>>) dst(%dma_wait3A_132 : memref<10240x128xf32, #tpu.memory_space<vmem_shared>>)
    %barrier3A_133 = arith.constant 0 : index
    tpu.barrier barrier_id(%barrier3A_133)
    %lt3A = arith.constant 10 : i32
    %lt3A_134 = arith.cmpi slt, %arg1, %lt3A : i32
    %convert_element_type3A = arith.extui %lt3A_134 : i1 to i32
    %cond3A = arith.constant 0 : i32
    %cond3A_135 = arith.cmpi ne, %convert_element_type3A, %cond3A : i32
    scf.if %cond3A_135 {
      %mul3A_136 = arith.constant 1000 : i32
      %mul3A_137 = arith.muli %arg1, %mul3A_136 : i32
      %add3A_138 = arith.constant 0 : i32
      %add3A_139 = arith.addi %mul3A_137, %add3A_138 : i32
      %add3A_140 = arith.constant 0 : i32
      %add3A_141 = arith.addi %mul3A_137, %add3A_140 : i32
      "tpu.region"() ({
        %run_scoped3A = tpu.sem_alloc : memref<!tpu.dma_semaphore, #tpu.memory_space<semaphore_mem>>
        %dma_start3A_170 = arith.constant 0 : i32
        %dma_start3A_171 = tpu.memref_slice %arg5[%arg0, %add3A_141, %dma_start3A_170] : memref<2x10000x128xf32, #tpu.memory_space<hbm>> -> memref<1x128x128xf32, #tpu.memory_space<hbm>>
        %dma_start3A_172 = tpu.memref_squeeze %dma_start3A_171 : memref<1x128x128xf32, #tpu.memory_space<hbm>> -> memref<128x128xf32, #tpu.memory_space<hbm>>
        %dma_start3A_173 = arith.constant 0 : i32
        %dma_start3A_174 = tpu.memref_slice %arg15[%add3A_139, %dma_start3A_173] : memref<10240x128xf32, #tpu.memory_space<vmem_shared>> -> memref<128x128xf32, #tpu.memory_space<vmem_shared>>
        tpu.enqueue_dma source(%dma_start3A_174 : memref<128x128xf32, #tpu.memory_space<vmem_shared>>) target(%dma_start3A_172 : memref<128x128xf32, #tpu.memory_space<hbm>>) target_semaphore(%run_scoped3A : memref<!tpu.dma_semaphore, #tpu.memory_space<semaphore_mem>>)
        %dma_wait3A_175 = arith.constant 0 : i32
        %dma_wait3A_176 = tpu.memref_slice %arg5[%arg0, %add3A_141, %dma_wait3A_175] : memref<2x10000x128xf32, #tpu.memory_space<hbm>> -> memref<1x128x128xf32, #tpu.memory_space<hbm>>
        %dma_wait3A_177 = tpu.memref_squeeze %dma_wait3A_176 : memref<1x128x128xf32, #tpu.memory_space<hbm>> -> memref<128x128xf32, #tpu.memory_space<hbm>>
        %dma_wait3A_178 = arith.constant 0 : i32
        %dma_wait3A_179 = tpu.memref_slice %arg15[%add3A_139, %dma_wait3A_178] : memref<10240x128xf32, #tpu.memory_space<vmem_shared>> -> memref<128x128xf32, #tpu.memory_space<vmem_shared>>
        tpu.wait_dma2 semaphore(%run_scoped3A : memref<!tpu.dma_semaphore, #tpu.memory_space<semaphore_mem>>) src(%dma_wait3A_179 : memref<128x128xf32, #tpu.memory_space<vmem_shared>>) dst(%dma_wait3A_177 : memref<128x128xf32, #tpu.memory_space<hbm>>)
        tpu.yield
      }) : () -> ()
      %add3A_142 = arith.constant 128 : i32
      %add3A_143 = arith.addi %mul3A_137, %add3A_142 : i32
      %add3A_144 = arith.constant 128 : i32
      %add3A_145 = arith.addi %mul3A_137, %add3A_144 : i32
      "tpu.region"() ({
        %run_scoped3A = tpu.sem_alloc : memref<!tpu.dma_semaphore, #tpu.memory_space<semaphore_mem>>
        %dma_start3A_170 = arith.constant 0 : i32
        %dma_start3A_171 = tpu.memref_slice %arg5[%arg0, %add3A_145, %dma_start3A_170] : memref<2x10000x128xf32, #tpu.memory_space<hbm>> -> memref<1x128x128xf32, #tpu.memory_space<hbm>>
        %dma_start3A_172 = tpu.memref_squeeze %dma_start3A_171 : memref<1x128x128xf32, #tpu.memory_space<hbm>> -> memref<128x128xf32, #tpu.memory_space<hbm>>
        %dma_start3A_173 = arith.constant 0 : i32
        %dma_start3A_174 = tpu.memref_slice %arg15[%add3A_143, %dma_start3A_173] : memref<10240x128xf32, #tpu.memory_space<vmem_shared>> -> memref<128x128xf32, #tpu.memory_space<vmem_shared>>
        tpu.enqueue_dma source(%dma_start3A_174 : memref<128x128xf32, #tpu.memory_space<vmem_shared>>) target(%dma_start3A_172 : memref<128x128xf32, #tpu.memory_space<hbm>>) target_semaphore(%run_scoped3A : memref<!tpu.dma_semaphore, #tpu.memory_space<semaphore_mem>>)
        %dma_wait3A_175 = arith.constant 0 : i32
        %dma_wait3A_176 = tpu.memref_slice %arg5[%arg0, %add3A_145, %dma_wait3A_175] : memref<2x10000x128xf32, #tpu.memory_space<hbm>> -> memref<1x128x128xf32, #tpu.memory_space<hbm>>
        %dma_wait3A_177 = tpu.memref_squeeze %dma_wait3A_176 : memref<1x128x128xf32, #tpu.memory_space<hbm>> -> memref<128x128xf32, #tpu.memory_space<hbm>>
        %dma_wait3A_178 = arith.constant 0 : i32
        %dma_wait3A_179 = tpu.memref_slice %arg15[%add3A_143, %dma_wait3A_178] : memref<10240x128xf32, #tpu.memory_space<vmem_shared>> -> memref<128x128xf32, #tpu.memory_space<vmem_shared>>
        tpu.wait_dma2 semaphore(%run_scoped3A : memref<!tpu.dma_semaphore, #tpu.memory_space<semaphore_mem>>) src(%dma_wait3A_179 : memref<128x128xf32, #tpu.memory_space<vmem_shared>>) dst(%dma_wait3A_177 : memref<128x128xf32, #tpu.memory_space<hbm>>)
        tpu.yield
      }) : () -> ()
      %add3A_146 = arith.constant 256 : i32
      %add3A_147 = arith.addi %mul3A_137, %add3A_146 : i32
      %add3A_148 = arith.constant 256 : i32
      %add3A_149 = arith.addi %mul3A_137, %add3A_148 : i32
      "tpu.region"() ({
        %run_scoped3A = tpu.sem_alloc : memref<!tpu.dma_semaphore, #tpu.memory_space<semaphore_mem>>
        %dma_start3A_170 = arith.constant 0 : i32
        %dma_start3A_171 = tpu.memref_slice %arg5[%arg0, %add3A_149, %dma_start3A_170] : memref<2x10000x128xf32, #tpu.memory_space<hbm>> -> memref<1x128x128xf32, #tpu.memory_space<hbm>>
        %dma_start3A_172 = tpu.memref_squeeze %dma_start3A_171 : memref<1x128x128xf32, #tpu.memory_space<hbm>> -> memref<128x128xf32, #tpu.memory_space<hbm>>
        %dma_start3A_173 = arith.constant 0 : i32
        %dma_start3A_174 = tpu.memref_slice %arg15[%add3A_147, %dma_start3A_173] : memref<10240x128xf32, #tpu.memory_space<vmem_shared>> -> memref<128x128xf32, #tpu.memory_space<vmem_shared>>
        tpu.enqueue_dma source(%dma_start3A_174 : memref<128x128xf32, #tpu.memory_space<vmem_shared>>) target(%dma_start3A_172 : memref<128x128xf32, #tpu.memory_space<hbm>>) target_semaphore(%run_scoped3A : memref<!tpu.dma_semaphore, #tpu.memory_space<semaphore_mem>>)
        %dma_wait3A_175 = arith.constant 0 : i32
        %dma_wait3A_176 = tpu.memref_slice %arg5[%arg0, %add3A_149, %dma_wait3A_175] : memref<2x10000x128xf32, #tpu.memory_space<hbm>> -> memref<1x128x128xf32, #tpu.memory_space<hbm>>
        %dma_wait3A_177 = tpu.memref_squeeze %dma_wait3A_176 : memref<1x128x128xf32, #tpu.memory_space<hbm>> -> memref<128x128xf32, #tpu.memory_space<hbm>>
        %dma_wait3A_178 = arith.constant 0 : i32
        %dma_wait3A_179 = tpu.memref_slice %arg15[%add3A_147, %dma_wait3A_178] : memref<10240x128xf32, #tpu.memory_space<vmem_shared>> -> memref<128x128xf32, #tpu.memory_space<vmem_shared>>
        tpu.wait_dma2 semaphore(%run_scoped3A : memref<!tpu.dma_semaphore, #tpu.memory_space<semaphore_mem>>) src(%dma_wait3A_179 : memref<128x128xf32, #tpu.memory_space<vmem_shared>>) dst(%dma_wait3A_177 : memref<128x128xf32, #tpu.memory_space<hbm>>)
        tpu.yield
      }) : () -> ()
      %add3A_150 = arith.constant 384 : i32
      %add3A_151 = arith.addi %mul3A_137, %add3A_150 : i32
      %add3A_152 = arith.constant 384 : i32
      %add3A_153 = arith.addi %mul3A_137, %add3A_152 : i32
      "tpu.region"() ({
        %run_scoped3A = tpu.sem_alloc : memref<!tpu.dma_semaphore, #tpu.memory_space<semaphore_mem>>
        %dma_start3A_170 = arith.constant 0 : i32
        %dma_start3A_171 = tpu.memref_slice %arg5[%arg0, %add3A_153, %dma_start3A_170] : memref<2x10000x128xf32, #tpu.memory_space<hbm>> -> memref<1x128x128xf32, #tpu.memory_space<hbm>>
        %dma_start3A_172 = tpu.memref_squeeze %dma_start3A_171 : memref<1x128x128xf32, #tpu.memory_space<hbm>> -> memref<128x128xf32, #tpu.memory_space<hbm>>
        %dma_start3A_173 = arith.constant 0 : i32
        %dma_start3A_174 = tpu.memref_slice %arg15[%add3A_151, %dma_start3A_173] : memref<10240x128xf32, #tpu.memory_space<vmem_shared>> -> memref<128x128xf32, #tpu.memory_space<vmem_shared>>
        tpu.enqueue_dma source(%dma_start3A_174 : memref<128x128xf32, #tpu.memory_space<vmem_shared>>) target(%dma_start3A_172 : memref<128x128xf32, #tpu.memory_space<hbm>>) target_semaphore(%run_scoped3A : memref<!tpu.dma_semaphore, #tpu.memory_space<semaphore_mem>>)
        %dma_wait3A_175 = arith.constant 0 : i32
        %dma_wait3A_176 = tpu.memref_slice %arg5[%arg0, %add3A_153, %dma_wait3A_175] : memref<2x10000x128xf32, #tpu.memory_space<hbm>> -> memref<1x128x128xf32, #tpu.memory_space<hbm>>
        %dma_wait3A_177 = tpu.memref_squeeze %dma_wait3A_176 : memref<1x128x128xf32, #tpu.memory_space<hbm>> -> memref<128x128xf32, #tpu.memory_space<hbm>>
        %dma_wait3A_178 = arith.constant 0 : i32
        %dma_wait3A_179 = tpu.memref_slice %arg15[%add3A_151, %dma_wait3A_178] : memref<10240x128xf32, #tpu.memory_space<vmem_shared>> -> memref<128x128xf32, #tpu.memory_space<vmem_shared>>
        tpu.wait_dma2 semaphore(%run_scoped3A : memref<!tpu.dma_semaphore, #tpu.memory_space<semaphore_mem>>) src(%dma_wait3A_179 : memref<128x128xf32, #tpu.memory_space<vmem_shared>>) dst(%dma_wait3A_177 : memref<128x128xf32, #tpu.memory_space<hbm>>)
        tpu.yield
      }) : () -> ()
      %add3A_154 = arith.constant 512 : i32
      %add3A_155 = arith.addi %mul3A_137, %add3A_154 : i32
      %add3A_156 = arith.constant 512 : i32
      %add3A_157 = arith.addi %mul3A_137, %add3A_156 : i32
      "tpu.region"() ({
        %run_scoped3A = tpu.sem_alloc : memref<!tpu.dma_semaphore, #tpu.memory_space<semaphore_mem>>
        %dma_start3A_170 = arith.constant 0 : i32
        %dma_start3A_171 = tpu.memref_slice %arg5[%arg0, %add3A_157, %dma_start3A_170] : memref<2x10000x128xf32, #tpu.memory_space<hbm>> -> memref<1x128x128xf32, #tpu.memory_space<hbm>>
        %dma_start3A_172 = tpu.memref_squeeze %dma_start3A_171 : memref<1x128x128xf32, #tpu.memory_space<hbm>> -> memref<128x128xf32, #tpu.memory_space<hbm>>
        %dma_start3A_173 = arith.constant 0 : i32
        %dma_start3A_174 = tpu.memref_slice %arg15[%add3A_155, %dma_start3A_173] : memref<10240x128xf32, #tpu.memory_space<vmem_shared>> -> memref<128x128xf32, #tpu.memory_space<vmem_shared>>
        tpu.enqueue_dma source(%dma_start3A_174 : memref<128x128xf32, #tpu.memory_space<vmem_shared>>) target(%dma_start3A_172 : memref<128x128xf32, #tpu.memory_space<hbm>>) target_semaphore(%run_scoped3A : memref<!tpu.dma_semaphore, #tpu.memory_space<semaphore_mem>>)
        %dma_wait3A_175 = arith.constant 0 : i32
        %dma_wait3A_176 = tpu.memref_slice %arg5[%arg0, %add3A_157, %dma_wait3A_175] : memref<2x10000x128xf32, #tpu.memory_space<hbm>> -> memref<1x128x128xf32, #tpu.memory_space<hbm>>
        %dma_wait3A_177 = tpu.memref_squeeze %dma_wait3A_176 : memref<1x128x128xf32, #tpu.memory_space<hbm>> -> memref<128x128xf32, #tpu.memory_space<hbm>>
        %dma_wait3A_178 = arith.constant 0 : i32
        %dma_wait3A_179 = tpu.memref_slice %arg15[%add3A_155, %dma_wait3A_178] : memref<10240x128xf32, #tpu.memory_space<vmem_shared>> -> memref<128x128xf32, #tpu.memory_space<vmem_shared>>
        tpu.wait_dma2 semaphore(%run_scoped3A : memref<!tpu.dma_semaphore, #tpu.memory_space<semaphore_mem>>) src(%dma_wait3A_179 : memref<128x128xf32, #tpu.memory_space<vmem_shared>>) dst(%dma_wait3A_177 : memref<128x128xf32, #tpu.memory_space<hbm>>)
        tpu.yield
      }) : () -> ()
      %add3A_158 = arith.constant 640 : i32
      %add3A_159 = arith.addi %mul3A_137, %add3A_158 : i32
      %add3A_160 = arith.constant 640 : i32
      %add3A_161 = arith.addi %mul3A_137, %add3A_160 : i32
      "tpu.region"() ({
        %run_scoped3A = tpu.sem_alloc : memref<!tpu.dma_semaphore, #tpu.memory_space<semaphore_mem>>
        %dma_start3A_170 = arith.constant 0 : i32
        %dma_start3A_171 = tpu.memref_slice %arg5[%arg0, %add3A_161, %dma_start3A_170] : memref<2x10000x128xf32, #tpu.memory_space<hbm>> -> memref<1x128x128xf32, #tpu.memory_space<hbm>>
        %dma_start3A_172 = tpu.memref_squeeze %dma_start3A_171 : memref<1x128x128xf32, #tpu.memory_space<hbm>> -> memref<128x128xf32, #tpu.memory_space<hbm>>
        %dma_start3A_173 = arith.constant 0 : i32
        %dma_start3A_174 = tpu.memref_slice %arg15[%add3A_159, %dma_start3A_173] : memref<10240x128xf32, #tpu.memory_space<vmem_shared>> -> memref<128x128xf32, #tpu.memory_space<vmem_shared>>
        tpu.enqueue_dma source(%dma_start3A_174 : memref<128x128xf32, #tpu.memory_space<vmem_shared>>) target(%dma_start3A_172 : memref<128x128xf32, #tpu.memory_space<hbm>>) target_semaphore(%run_scoped3A : memref<!tpu.dma_semaphore, #tpu.memory_space<semaphore_mem>>)
        %dma_wait3A_175 = arith.constant 0 : i32
        %dma_wait3A_176 = tpu.memref_slice %arg5[%arg0, %add3A_161, %dma_wait3A_175] : memref<2x10000x128xf32, #tpu.memory_space<hbm>> -> memref<1x128x128xf32, #tpu.memory_space<hbm>>
        %dma_wait3A_177 = tpu.memref_squeeze %dma_wait3A_176 : memref<1x128x128xf32, #tpu.memory_space<hbm>> -> memref<128x128xf32, #tpu.memory_space<hbm>>
        %dma_wait3A_178 = arith.constant 0 : i32
        %dma_wait3A_179 = tpu.memref_slice %arg15[%add3A_159, %dma_wait3A_178] : memref<10240x128xf32, #tpu.memory_space<vmem_shared>> -> memref<128x128xf32, #tpu.memory_space<vmem_shared>>
        tpu.wait_dma2 semaphore(%run_scoped3A : memref<!tpu.dma_semaphore, #tpu.memory_space<semaphore_mem>>) src(%dma_wait3A_179 : memref<128x128xf32, #tpu.memory_space<vmem_shared>>) dst(%dma_wait3A_177 : memref<128x128xf32, #tpu.memory_space<hbm>>)
        tpu.yield
      }) : () -> ()
      %add3A_162 = arith.constant 768 : i32
      %add3A_163 = arith.addi %mul3A_137, %add3A_162 : i32
      %add3A_164 = arith.constant 768 : i32
      %add3A_165 = arith.addi %mul3A_137, %add3A_164 : i32
      "tpu.region"() ({
        %run_scoped3A = tpu.sem_alloc : memref<!tpu.dma_semaphore, #tpu.memory_space<semaphore_mem>>
        %dma_start3A_170 = arith.constant 0 : i32
        %dma_start3A_171 = tpu.memref_slice %arg5[%arg0, %add3A_165, %dma_start3A_170] : memref<2x10000x128xf32, #tpu.memory_space<hbm>> -> memref<1x128x128xf32, #tpu.memory_space<hbm>>
        %dma_start3A_172 = tpu.memref_squeeze %dma_start3A_171 : memref<1x128x128xf32, #tpu.memory_space<hbm>> -> memref<128x128xf32, #tpu.memory_space<hbm>>
        %dma_start3A_173 = arith.constant 0 : i32
        %dma_start3A_174 = tpu.memref_slice %arg15[%add3A_163, %dma_start3A_173] : memref<10240x128xf32, #tpu.memory_space<vmem_shared>> -> memref<128x128xf32, #tpu.memory_space<vmem_shared>>
        tpu.enqueue_dma source(%dma_start3A_174 : memref<128x128xf32, #tpu.memory_space<vmem_shared>>) target(%dma_start3A_172 : memref<128x128xf32, #tpu.memory_space<hbm>>) target_semaphore(%run_scoped3A : memref<!tpu.dma_semaphore, #tpu.memory_space<semaphore_mem>>)
        %dma_wait3A_175 = arith.constant 0 : i32
        %dma_wait3A_176 = tpu.memref_slice %arg5[%arg0, %add3A_165, %dma_wait3A_175] : memref<2x10000x128xf32, #tpu.memory_space<hbm>> -> memref<1x128x128xf32, #tpu.memory_space<hbm>>
        %dma_wait3A_177 = tpu.memref_squeeze %dma_wait3A_176 : memref<1x128x128xf32, #tpu.memory_space<hbm>> -> memref<128x128xf32, #tpu.memory_space<hbm>>
        %dma_wait3A_178 = arith.constant 0 : i32
        %dma_wait3A_179 = tpu.memref_slice %arg15[%add3A_163, %dma_wait3A_178] : memref<10240x128xf32, #tpu.memory_space<vmem_shared>> -> memref<128x128xf32, #tpu.memory_space<vmem_shared>>
        tpu.wait_dma2 semaphore(%run_scoped3A : memref<!tpu.dma_semaphore, #tpu.memory_space<semaphore_mem>>) src(%dma_wait3A_179 : memref<128x128xf32, #tpu.memory_space<vmem_shared>>) dst(%dma_wait3A_177 : memref<128x128xf32, #tpu.memory_space<hbm>>)
        tpu.yield
      }) : () -> ()
      %add3A_166 = arith.constant 896 : i32
      %add3A_167 = arith.addi %mul3A_137, %add3A_166 : i32
      %add3A_168 = arith.constant 896 : i32
      %add3A_169 = arith.addi %mul3A_137, %add3A_168 : i32
      "tpu.region"() ({
        %run_scoped3A = tpu.sem_alloc : memref<!tpu.dma_semaphore, #tpu.memory_space<semaphore_mem>>
        %dma_start3A_170 = arith.constant 0 : i32
        %dma_start3A_171 = tpu.memref_slice %arg5[%arg0, %add3A_169, %dma_start3A_170] : memref<2x10000x128xf32, #tpu.memory_space<hbm>> -> memref<1x104x128xf32, #tpu.memory_space<hbm>>
        %dma_start3A_172 = tpu.memref_squeeze %dma_start3A_171 : memref<1x104x128xf32, #tpu.memory_space<hbm>> -> memref<104x128xf32, #tpu.memory_space<hbm>>
        %dma_start3A_173 = arith.constant 0 : i32
        %dma_start3A_174 = tpu.memref_slice %arg15[%add3A_167, %dma_start3A_173] : memref<10240x128xf32, #tpu.memory_space<vmem_shared>> -> memref<104x128xf32, #tpu.memory_space<vmem_shared>>
        tpu.enqueue_dma source(%dma_start3A_174 : memref<104x128xf32, #tpu.memory_space<vmem_shared>>) target(%dma_start3A_172 : memref<104x128xf32, #tpu.memory_space<hbm>>) target_semaphore(%run_scoped3A : memref<!tpu.dma_semaphore, #tpu.memory_space<semaphore_mem>>)
        %dma_wait3A_175 = arith.constant 0 : i32
        %dma_wait3A_176 = tpu.memref_slice %arg5[%arg0, %add3A_169, %dma_wait3A_175] : memref<2x10000x128xf32, #tpu.memory_space<hbm>> -> memref<1x104x128xf32, #tpu.memory_space<hbm>>
        %dma_wait3A_177 = tpu.memref_squeeze %dma_wait3A_176 : memref<1x104x128xf32, #tpu.memory_space<hbm>> -> memref<104x128xf32, #tpu.memory_space<hbm>>
        %dma_wait3A_178 = arith.constant 0 : i32
        %dma_wait3A_179 = tpu.memref_slice %arg15[%add3A_167, %dma_wait3A_178] : memref<10240x128xf32, #tpu.memory_space<vmem_shared>> -> memref<104x128xf32, #tpu.memory_space<vmem_shared>>
        tpu.wait_dma2 semaphore(%run_scoped3A : memref<!tpu.dma_semaphore, #tpu.memory_space<semaphore_mem>>) src(%dma_wait3A_179 : memref<104x128xf32, #tpu.memory_space<vmem_shared>>) dst(%dma_wait3A_177 : memref<104x128xf32, #tpu.memory_space<hbm>>)
        tpu.yield
      }) : () -> ()
    } else {
    }
    return
  }
}

module attributes {stable_mosaic.version = 14 : i64} {
  func.func @_mm_body(%arg0: i32, %arg1: memref<2000x128xf32, #tpu.memory_space<vmem>>, %arg2: memref<128x128xf32, #tpu.memory_space<vmem>>, %arg3: memref<2000x128xf32, #tpu.memory_space<vmem>>) attributes {dimension_semantics = [#tpu.dimension_semantics<arbitrary>], iteration_bounds = array<i64: 5>, scalar_prefetch = 0 : i64, scratch_operands = 0 : i64, tpu.core_type = #tpu.core_type<tc>, window_params = [{transform_indices = @transform_0, window_bounds = array<i64: 2000, 128>}, {pipeline_mode = #tpu.pipeline_mode<synchronous>, transform_indices = @transform_1, window_bounds = array<i64: 128, 128>}, {transform_indices = @transform_2, window_bounds = array<i64: 2000, 128>}]} {
    %get3A = arith.constant 0 : index
    %get3A_0 = arith.constant 0 : index
    %get3A_1 = vector.load %arg1[%get3A, %get3A_0] : memref<2000x128xf32, #tpu.memory_space<vmem>>, vector<2000x128xf32>
    %get3A_2 = arith.constant 0 : index
    %get3A_3 = arith.constant 0 : index
    %get3A_4 = vector.load %arg2[%get3A_2, %get3A_3] : memref<128x128xf32, #tpu.memory_space<vmem>>, vector<128x128xf32>
    %dot_general3A = arith.constant dense<0.000000e+00> : vector<2000x128xf32>
    %dot_general3A_5 = tpu.matmul %get3A_1, %get3A_4, %dot_general3A {dimension_numbers = #tpu.dot_dimension_numbers<[1], [0], [0], [1], [0, 0, 1, 1], [], []>, transpose_lhs_hint = false} : vector<2000x128xf32>, vector<128x128xf32>, vector<2000x128xf32> -> vector<2000x128xf32>
    %swap3A = arith.constant 0 : index
    %swap3A_6 = arith.constant 0 : index
    %swap3A_7 = vector.load %arg3[%swap3A, %swap3A_6] : memref<2000x128xf32, #tpu.memory_space<vmem>>, vector<2000x128xf32>
    tpu.vector_store %arg3[%swap3A, %swap3A_6], %dot_general3A_5 {strides = array<i32>} : memref<2000x128xf32, #tpu.memory_space<vmem>>, vector<2000x128xf32>,
    return
  }
  func.func @transform_0(%arg0: i32) -> (i32, i32) {
    %c0_i32 = arith.constant 0 : i32
    %c0_i32_0 = arith.constant 0 : i32
    return %arg0, %c0_i32 : i32, i32
  }
  func.func @transform_1(%arg0: i32) -> (i32, i32) {
    %c0_i32 = arith.constant 0 : i32
    %c0_i32_0 = arith.constant 0 : i32
    %c0_i32_1 = arith.constant 0 : i32
    return %c0_i32, %c0_i32_0 : i32, i32
  }
  func.func @transform_2(%arg0: i32) -> (i32, i32) {
    %c0_i32 = arith.constant 0 : i32
    %c0_i32_0 = arith.constant 0 : i32
    return %arg0, %c0_i32 : i32, i32
  }
}

module attributes {stable_mosaic.version = 14 : i64} {
  func.func @_dred_body(%arg0: i32, %arg1: memref<32x10240xf32, #tpu.memory_space<vmem>>, %arg2: memref<1x10240xf32, #tpu.memory_space<vmem>>) attributes {dimension_semantics = [#tpu.dimension_semantics<arbitrary>], iteration_bounds = array<i64: 1>, scalar_prefetch = 0 : i64, scratch_operands = 0 : i64, tpu.core_type = #tpu.core_type<tc>, window_params = [{pipeline_mode = #tpu.pipeline_mode<synchronous>, transform_indices = @transform_0, window_bounds = array<i64: 32, 10240>}, {pipeline_mode = #tpu.pipeline_mode<synchronous>, transform_indices = @transform_1, window_bounds = array<i64: 1, 10240>}]} {
    %get3A = arith.constant 0 : index
    %get3A_0 = arith.constant 0 : index
    %get3A_1 = vector.load %arg1[%get3A, %get3A_0] : memref<32x10240xf32, #tpu.memory_space<vmem>>, vector<32x10240xf32>
    %reduce_sum3A = arith.constant dense<0.000000e+00> : vector<10240xf32>
    %reduce_sum3A_2 = vector.multi_reduction <add>, %get3A_1, %reduce_sum3A [0] : vector<32x10240xf32> to vector<10240xf32>
    %broadcast_in_dim3A = vector.shape_cast %reduce_sum3A_2 : vector<10240xf32> to vector<1x10240xf32>
    %swap3A = arith.constant 0 : index
    %swap3A_3 = arith.constant 0 : index
    %swap3A_4 = vector.load %arg2[%swap3A, %swap3A_3] : memref<1x10240xf32, #tpu.memory_space<vmem>>, vector<1x10240xf32>
    tpu.vector_store %arg2[%swap3A, %swap3A_3], %broadcast_in_dim3A {strides = array<i32>} : memref<1x10240xf32, #tpu.memory_space<vmem>>, vector<1x10240xf32>,
    return
  }
  func.func @transform_0(%arg0: i32) -> (i32, i32) {
    %c0_i32 = arith.constant 0 : i32
    %c0_i32_0 = arith.constant 0 : i32
    %c0_i32_1 = arith.constant 0 : i32
    return %c0_i32, %c0_i32_0 : i32, i32
  }
  func.func @transform_1(%arg0: i32) -> (i32, i32) {
    %c0_i32 = arith.constant 0 : i32
    %c0_i32_0 = arith.constant 0 : i32
    %c0_i32_1 = arith.constant 0 : i32
    return %c0_i32, %c0_i32_0 : i32, i32
  }
}

module attributes {stable_mosaic.version = 14 : i64} {
  func.func @_e1_body(%arg0: i32, %arg1: memref<1x2000x128xf32, #tpu.memory_space<vmem>>, %arg2: memref<1x2000x128xf32, #tpu.memory_space<vmem>>, %arg3: memref<2000x128xf32, #tpu.memory_space<vmem>>, %arg4: memref<2000x1xf32, #tpu.memory_space<vmem>>, %arg5: memref<1x128xf32, #tpu.memory_space<vmem>>, %arg6: memref<2000x128xf32, #tpu.memory_space<vmem>>, %arg7: memref<1x1x128xf32, #tpu.memory_space<vmem>>, %arg8: memref<1x1x128xf32, #tpu.memory_space<vmem>>) attributes {dimension_semantics = [#tpu.dimension_semantics<arbitrary>], iteration_bounds = array<i64: 5>, scalar_prefetch = 0 : i64, scratch_operands = 0 : i64, tpu.core_type = #tpu.core_type<tc>, window_params = [{transform_indices = @transform_0, window_bounds = array<i64: 1, 2000, 128>}, {transform_indices = @transform_1, window_bounds = array<i64: 1, 2000, 128>}, {transform_indices = @transform_2, window_bounds = array<i64: 2000, 128>}, {transform_indices = @transform_3, window_bounds = array<i64: 2000, 1>}, {pipeline_mode = #tpu.pipeline_mode<synchronous>, transform_indices = @transform_4, window_bounds = array<i64: 1, 128>}, {transform_indices = @transform_5, window_bounds = array<i64: 2000, 128>}, {transform_indices = @transform_6, window_bounds = array<i64: 1, 1, 128>}, {transform_indices = @transform_7, window_bounds = array<i64: 1, 1, 128>}]} {
    %get3A = arith.constant 0 : index
    %get3A_0 = arith.constant 0 : index
    %get3A_1 = arith.constant 0 : index
    %get3A_2 = vector.load %arg1[%get3A, %get3A_0, %get3A_1] : memref<1x2000x128xf32, #tpu.memory_space<vmem>>, vector<1x2000x128xf32>
    %get3A_3 = arith.constant 0 : index
    %get3A_4 = arith.constant 0 : index
    %get3A_5 = arith.constant 0 : index
    %get3A_6 = vector.load %arg2[%get3A_3, %get3A_4, %get3A_5] : memref<1x2000x128xf32, #tpu.memory_space<vmem>>, vector<1x2000x128xf32>
    %add3A = arith.addf %get3A_2, %get3A_6 : vector<1x2000x128xf32>
    %reshape3A = vector.shape_cast %add3A : vector<1x2000x128xf32> to vector<2000x128xf32>
    %get3A_7 = arith.constant 0 : index
    %get3A_8 = arith.constant 0 : index
    %get3A_9 = vector.load %arg3[%get3A_7, %get3A_8] : memref<2000x128xf32, #tpu.memory_space<vmem>>, vector<2000x128xf32>
    %add3A_10 = arith.addf %reshape3A, %get3A_9 : vector<2000x128xf32>
    %get3A_11 = arith.constant 0 : index
    %get3A_12 = arith.constant 0 : index
    %get3A_13 = vector.load %arg4[%get3A_11, %get3A_12] : memref<2000x1xf32, #tpu.memory_space<vmem>>, vector<2000x1xf32>
    %mul3A = vector.broadcast %get3A_13 : vector<2000x1xf32> to vector<2000x128xf32>
    %mul3A_14 = arith.mulf %add3A_10, %mul3A : vector<2000x128xf32>
    %get3A_15 = arith.constant 0 : index
    %get3A_16 = arith.constant 0 : index
    %get3A_17 = vector.load %arg5[%get3A_15, %get3A_16] : memref<1x128xf32, #tpu.memory_space<vmem>>, vector<1x128xf32>
    %add3A_18 = vector.broadcast %get3A_17 : vector<1x128xf32> to vector<2000x128xf32>
    %add3A_19 = arith.addf %mul3A_14, %add3A_18 : vector<2000x128xf32>
    %ge3A = arith.constant 0.000000e+00 : f32
    %ge3A_20 = vector.broadcast %ge3A : f32 to vector<2000x128xf32>
    %ge3A_21 = arith.cmpf oge, %add3A_19, %ge3A_20 : vector<2000x128xf32>
    %mul3A_22 = arith.constant 0.00999999977 : f32
    %mul3A_23 = vector.broadcast %mul3A_22 : f32 to vector<2000x128xf32>
    %mul3A_24 = arith.mulf %mul3A_23, %add3A_19 : vector<2000x128xf32>
    %select_n3A = arith.select %ge3A_21, %add3A_19, %mul3A_24 : vector<2000x128xi1>, vector<2000x128xf32>
    %swap3A = arith.constant 0 : index
    %swap3A_25 = arith.constant 0 : index
    %swap3A_26 = vector.load %arg6[%swap3A, %swap3A_25] : memref<2000x128xf32, #tpu.memory_space<vmem>>, vector<2000x128xf32>
    tpu.vector_store %arg6[%swap3A, %swap3A_25], %select_n3A {strides = array<i32>} : memref<2000x128xf32, #tpu.memory_space<vmem>>, vector<2000x128xf32>,
    %reduce_sum3A = arith.constant dense<0.000000e+00> : vector<128xf32>
    %reduce_sum3A_27 = vector.multi_reduction <add>, %select_n3A, %reduce_sum3A [0] : vector<2000x128xf32> to vector<128xf32>
    %reshape3A_28 = vector.shape_cast %reduce_sum3A_27 : vector<128xf32> to vector<1x1x128xf32>
    %swap3A_29 = arith.constant 0 : index
    %swap3A_30 = arith.constant 0 : index
    %swap3A_31 = arith.constant 0 : index
    %swap3A_32 = vector.load %arg7[%swap3A_29, %swap3A_30, %swap3A_31] : memref<1x1x128xf32, #tpu.memory_space<vmem>>, vector<1x1x128xf32>
    tpu.vector_store %arg7[%swap3A_29, %swap3A_30, %swap3A_31], %reshape3A_28 {strides = array<i32>} : memref<1x1x128xf32, #tpu.memory_space<vmem>>, vector<1x1x128xf32>,
    %mul3A_33 = arith.mulf %select_n3A, %select_n3A : vector<2000x128xf32>
    %reduce_sum3A_34 = arith.constant dense<0.000000e+00> : vector<128xf32>
    %reduce_sum3A_35 = vector.multi_reduction <add>, %mul3A_33, %reduce_sum3A_34 [0] : vector<2000x128xf32> to vector<128xf32>
    %reshape3A_36 = vector.shape_cast %reduce_sum3A_35 : vector<128xf32> to vector<1x1x128xf32>
    %swap3A_37 = arith.constant 0 : index
    %swap3A_38 = arith.constant 0 : index
    %swap3A_39 = arith.constant 0 : index
    %swap3A_40 = vector.load %arg8[%swap3A_37, %swap3A_38, %swap3A_39] : memref<1x1x128xf32, #tpu.memory_space<vmem>>, vector<1x1x128xf32>
    tpu.vector_store %arg8[%swap3A_37, %swap3A_38, %swap3A_39], %reshape3A_36 {strides = array<i32>} : memref<1x1x128xf32, #tpu.memory_space<vmem>>, vector<1x1x128xf32>,
    return
  }
  func.func @transform_0(%arg0: i32) -> (i32, i32, i32) {
    %c0_i32 = arith.constant 0 : i32
    %c0_i32_0 = arith.constant 0 : i32
    %c0_i32_1 = arith.constant 0 : i32
    return %c0_i32, %arg0, %c0_i32_0 : i32, i32, i32
  }
  func.func @transform_1(%arg0: i32) -> (i32, i32, i32) {
    %c1_i32 = arith.constant 1 : i32
    %c0_i32 = arith.constant 0 : i32
    %c0_i32_0 = arith.constant 0 : i32
    return %c1_i32, %arg0, %c0_i32 : i32, i32, i32
  }
  func.func @transform_2(%arg0: i32) -> (i32, i32) {
    %c0_i32 = arith.constant 0 : i32
    %c0_i32_0 = arith.constant 0 : i32
    return %arg0, %c0_i32 : i32, i32
  }
  func.func @transform_3(%arg0: i32) -> (i32, i32) {
    %c0_i32 = arith.constant 0 : i32
    %c0_i32_0 = arith.constant 0 : i32
    return %arg0, %c0_i32 : i32, i32
  }
  func.func @transform_4(%arg0: i32) -> (i32, i32) {
    %c0_i32 = arith.constant 0 : i32
    %c0_i32_0 = arith.constant 0 : i32
    %c0_i32_1 = arith.constant 0 : i32
    return %c0_i32, %c0_i32_0 : i32, i32
  }
  func.func @transform_5(%arg0: i32) -> (i32, i32) {
    %c0_i32 = arith.constant 0 : i32
    %c0_i32_0 = arith.constant 0 : i32
    return %arg0, %c0_i32 : i32, i32
  }
  func.func @transform_6(%arg0: i32) -> (i32, i32, i32) {
    %c0_i32 = arith.constant 0 : i32
    %c0_i32_0 = arith.constant 0 : i32
    %c0_i32_1 = arith.constant 0 : i32
    return %arg0, %c0_i32, %c0_i32_0 : i32, i32, i32
  }
  func.func @transform_7(%arg0: i32) -> (i32, i32, i32) {
    %c0_i32 = arith.constant 0 : i32
    %c0_i32_0 = arith.constant 0 : i32
    %c0_i32_1 = arith.constant 0 : i32
    return %arg0, %c0_i32, %c0_i32_0 : i32, i32, i32
  }
}

module attributes {stable_mosaic.version = 14 : i64} {
  func.func @_lin_body(%arg0: i32, %arg1: memref<2000x128xf32, #tpu.memory_space<vmem>>, %arg2: memref<2000x1xf32, #tpu.memory_space<vmem>>, %arg3: memref<2000x128xf32, #tpu.memory_space<vmem>>, %arg4: memref<2000x1xf32, #tpu.memory_space<vmem>>) attributes {dimension_semantics = [#tpu.dimension_semantics<arbitrary>], iteration_bounds = array<i64: 5>, scalar_prefetch = 0 : i64, scratch_operands = 0 : i64, tpu.core_type = #tpu.core_type<tc>, window_params = [{transform_indices = @transform_0, window_bounds = array<i64: 2000, 128>}, {transform_indices = @transform_1, window_bounds = array<i64: 2000, 1>}, {transform_indices = @transform_2, window_bounds = array<i64: 2000, 128>}, {transform_indices = @transform_3, window_bounds = array<i64: 2000, 1>}]} {
    %get3A = arith.constant 0 : index
    %get3A_0 = arith.constant 0 : index
    %get3A_1 = vector.load %arg2[%get3A, %get3A_0] : memref<2000x1xf32, #tpu.memory_space<vmem>>, vector<2000x1xf32>
    %add3A = arith.constant 1.000000e+00 : f32
    %add3A_2 = vector.broadcast %add3A : f32 to vector<2000x1xf32>
    %add3A_3 = arith.addf %get3A_1, %add3A_2 : vector<2000x1xf32>
    %rsqrt3A = math.rsqrt %add3A_3 : vector<2000x1xf32>
    %get3A_4 = arith.constant 0 : index
    %get3A_5 = arith.constant 0 : index
    %get3A_6 = vector.load %arg1[%get3A_4, %get3A_5] : memref<2000x128xf32, #tpu.memory_space<vmem>>, vector<2000x128xf32>
    %mul3A = vector.broadcast %rsqrt3A : vector<2000x1xf32> to vector<2000x128xf32>
    %mul3A_7 = arith.mulf %get3A_6, %mul3A : vector<2000x128xf32>
    %swap3A = arith.constant 0 : index
    %swap3A_8 = arith.constant 0 : index
    %swap3A_9 = vector.load %arg3[%swap3A, %swap3A_8] : memref<2000x128xf32, #tpu.memory_space<vmem>>, vector<2000x128xf32>
    tpu.vector_store %arg3[%swap3A, %swap3A_8], %mul3A_7 {strides = array<i32>} : memref<2000x128xf32, #tpu.memory_space<vmem>>, vector<2000x128xf32>,
    %swap3A_10 = arith.constant 0 : index
    %swap3A_11 = arith.constant 0 : index
    %swap3A_12 = vector.load %arg4[%swap3A_10, %swap3A_11] : memref<2000x1xf32, #tpu.memory_space<vmem>>, vector<2000x1xf32>
    tpu.vector_store %arg4[%swap3A_10, %swap3A_11], %rsqrt3A {strides = array<i32>} : memref<2000x1xf32, #tpu.memory_space<vmem>>, vector<2000x1xf32>,
    return
  }
  func.func @transform_0(%arg0: i32) -> (i32, i32) {
    %c0_i32 = arith.constant 0 : i32
    %c0_i32_0 = arith.constant 0 : i32
    return %arg0, %c0_i32 : i32, i32
  }
  func.func @transform_1(%arg0: i32) -> (i32, i32) {
    %c0_i32 = arith.constant 0 : i32
    %c0_i32_0 = arith.constant 0 : i32
    return %arg0, %c0_i32 : i32, i32
  }
  func.func @transform_2(%arg0: i32) -> (i32, i32) {
    %c0_i32 = arith.constant 0 : i32
    %c0_i32_0 = arith.constant 0 : i32
    return %arg0, %c0_i32 : i32, i32
  }
  func.func @transform_3(%arg0: i32) -> (i32, i32) {
    %c0_i32 = arith.constant 0 : i32
    %c0_i32_0 = arith.constant 0 : i32
    return %arg0, %c0_i32 : i32, i32
  }
}

module attributes {stable_mosaic.version = 14 : i64} {
  func.func @_e2_body(%arg0: i32, %arg1: memref<2000x128xf32, #tpu.memory_space<vmem>>, %arg2: memref<5x1x128xf32, #tpu.memory_space<vmem>>, %arg3: memref<5x1x128xf32, #tpu.memory_space<vmem>>, %arg4: memref<1x128xf32, #tpu.memory_space<vmem>>, %arg5: memref<1x128xf32, #tpu.memory_space<vmem>>, %arg6: memref<2000x128xf32, #tpu.memory_space<vmem>>) attributes {dimension_semantics = [#tpu.dimension_semantics<arbitrary>], iteration_bounds = array<i64: 5>, scalar_prefetch = 0 : i64, scratch_operands = 0 : i64, tpu.core_type = #tpu.core_type<tc>, window_params = [{transform_indices = @transform_0, window_bounds = array<i64: 2000, 128>}, {pipeline_mode = #tpu.pipeline_mode<synchronous>, transform_indices = @transform_1, window_bounds = array<i64: 5, 1, 128>}, {pipeline_mode = #tpu.pipeline_mode<synchronous>, transform_indices = @transform_2, window_bounds = array<i64: 5, 1, 128>}, {pipeline_mode = #tpu.pipeline_mode<synchronous>, transform_indices = @transform_3, window_bounds = array<i64: 1, 128>}, {pipeline_mode = #tpu.pipeline_mode<synchronous>, transform_indices = @transform_4, window_bounds = array<i64: 1, 128>}, {transform_indices = @transform_5, window_bounds = array<i64: 2000, 128>}]} {
    %get3A = arith.constant 0 : index
    %get3A_0 = arith.constant 0 : index
    %get3A_1 = arith.constant 0 : index
    %get3A_2 = vector.load %arg2[%get3A, %get3A_0, %get3A_1] : memref<5x1x128xf32, #tpu.memory_space<vmem>>, vector<5x1x128xf32>
    %reduce_sum3A = arith.constant dense<0.000000e+00> : vector<1x128xf32>
    %reduce_sum3A_3 = vector.multi_reduction <add>, %get3A_2, %reduce_sum3A [0] : vector<5x1x128xf32> to vector<1x128xf32>
    %div3A = arith.constant 1.000000e+04 : f32
    %div3A_4 = vector.broadcast %div3A : f32 to vector<1x128xf32>
    %div3A_5 = arith.divf %reduce_sum3A_3, %div3A_4 : vector<1x128xf32>
    %get3A_6 = arith.constant 0 : index
    %get3A_7 = arith.constant 0 : index
    %get3A_8 = arith.constant 0 : index
    %get3A_9 = vector.load %arg3[%get3A_6, %get3A_7, %get3A_8] : memref<5x1x128xf32, #tpu.memory_space<vmem>>, vector<5x1x128xf32>
    %reduce_sum3A_10 = arith.constant dense<0.000000e+00> : vector<1x128xf32>
    %reduce_sum3A_11 = vector.multi_reduction <add>, %get3A_9, %reduce_sum3A_10 [0] : vector<5x1x128xf32> to vector<1x128xf32>
    %div3A_12 = arith.constant 1.000000e+04 : f32
    %div3A_13 = vector.broadcast %div3A_12 : f32 to vector<1x128xf32>
    %div3A_14 = arith.divf %reduce_sum3A_11, %div3A_13 : vector<1x128xf32>
    %mul3A = arith.mulf %div3A_5, %div3A_5 : vector<1x128xf32>
    %sub3A = arith.subf %div3A_14, %mul3A : vector<1x128xf32>
    %add3A = arith.constant 9.99999974E-6 : f32
    %add3A_15 = vector.broadcast %add3A : f32 to vector<1x128xf32>
    %add3A_16 = arith.addf %sub3A, %add3A_15 : vector<1x128xf32>
    %rsqrt3A = math.rsqrt %add3A_16 : vector<1x128xf32>
    %get3A_17 = arith.constant 0 : index
    %get3A_18 = arith.constant 0 : index
    %get3A_19 = vector.load %arg4[%get3A_17, %get3A_18] : memref<1x128xf32, #tpu.memory_space<vmem>>, vector<1x128xf32>
    %get3A_20 = arith.constant 0 : index
    %get3A_21 = arith.constant 0 : index
    %get3A_22 = vector.load %arg1[%get3A_20, %get3A_21] : memref<2000x128xf32, #tpu.memory_space<vmem>>, vector<2000x128xf32>
    %sub3A_23 = vector.broadcast %div3A_5 : vector<1x128xf32> to vector<2000x128xf32>
    %sub3A_24 = arith.subf %get3A_22, %sub3A_23 : vector<2000x128xf32>
    %mul3A_25 = vector.broadcast %get3A_19 : vector<1x128xf32> to vector<2000x128xf32>
    %mul3A_26 = arith.mulf %mul3A_25, %sub3A_24 : vector<2000x128xf32>
    %mul3A_27 = vector.broadcast %rsqrt3A : vector<1x128xf32> to vector<2000x128xf32>
    %mul3A_28 = arith.mulf %mul3A_26, %mul3A_27 : vector<2000x128xf32>
    %get3A_29 = arith.constant 0 : index
    %get3A_30 = arith.constant 0 : index
    %get3A_31 = vector.load %arg5[%get3A_29, %get3A_30] : memref<1x128xf32, #tpu.memory_space<vmem>>, vector<1x128xf32>
    %add3A_32 = vector.broadcast %get3A_31 : vector<1x128xf32> to vector<2000x128xf32>
    %add3A_33 = arith.addf %mul3A_28, %add3A_32 : vector<2000x128xf32>
    %swap3A = arith.constant 0 : index
    %swap3A_34 = arith.constant 0 : index
    %swap3A_35 = vector.load %arg6[%swap3A, %swap3A_34] : memref<2000x128xf32, #tpu.memory_space<vmem>>, vector<2000x128xf32>
    tpu.vector_store %arg6[%swap3A, %swap3A_34], %add3A_33 {strides = array<i32>} : memref<2000x128xf32, #tpu.memory_space<vmem>>, vector<2000x128xf32>,
    return
  }
  func.func @transform_0(%arg0: i32) -> (i32, i32) {
    %c0_i32 = arith.constant 0 : i32
    %c0_i32_0 = arith.constant 0 : i32
    return %arg0, %c0_i32 : i32, i32
  }
  func.func @transform_1(%arg0: i32) -> (i32, i32, i32) {
    %c0_i32 = arith.constant 0 : i32
    %c0_i32_0 = arith.constant 0 : i32
    %c0_i32_1 = arith.constant 0 : i32
    %c0_i32_2 = arith.constant 0 : i32
    return %c0_i32, %c0_i32_0, %c0_i32_1 : i32, i32, i32
  }
  func.func @transform_2(%arg0: i32) -> (i32, i32, i32) {
    %c0_i32 = arith.constant 0 : i32
    %c0_i32_0 = arith.constant 0 : i32
    %c0_i32_1 = arith.constant 0 : i32
    %c0_i32_2 = arith.constant 0 : i32
    return %c0_i32, %c0_i32_0, %c0_i32_1 : i32, i32, i32
  }
  func.func @transform_3(%arg0: i32) -> (i32, i32) {
    %c0_i32 = arith.constant 0 : i32
    %c0_i32_0 = arith.constant 0 : i32
    %c0_i32_1 = arith.constant 0 : i32
    return %c0_i32, %c0_i32_0 : i32, i32
  }
  func.func @transform_4(%arg0: i32) -> (i32, i32) {
    %c0_i32 = arith.constant 0 : i32
    %c0_i32_0 = arith.constant 0 : i32
    %c0_i32_1 = arith.constant 0 : i32
    return %c0_i32, %c0_i32_0 : i32, i32
  }
  func.func @transform_5(%arg0: i32) -> (i32, i32) {
    %c0_i32 = arith.constant 0 : i32
    %c0_i32_0 = arith.constant 0 : i32
    return %arg0, %c0_i32 : i32, i32
  }
}

</mosaic_0001>

<sc_bundles>
// kernel: kernel.12.cloned.1.call-start
scs
__scs_entry_jumppad:
0x0: {  	(pc) =	sbr.rel $0x88, $3  }
0x1: {  	(tag) =	ssettag $0x0;
	lr =	simm.s32 $0x1  }
0x2: {  	[smem:$0x3F9B] =	sst lr;
	_ =	strace $0xD0000000  }
0x3: {  	_ = 	snop  }
0x4: {  	_ = 	snop  }
0x5: {  	_ = 	snop  }
0x6: {  	_ = 	snop  }
0x7: {  	_ = 	snop  }
__scs_overlays_trampoline_lowered:
0x8: {  	[smem:$0x3FAA] =	sst s0  }
0x9: {  	[smem:$0x3FAB] =	sst s1  }
0xa: {  	[smem:$0x3FAC] =	sst s2  }
0xb: {  	[smem:$0x3FAD] =	sst s3  }
0xc: {  	[smem:$0x3FAE] =	sst s4  }
0xd: {  	[smem:$0x3FAF] =	sst s5  }
0xe: {  	[smem:$0x3FB0] =	sst s6  }
0xf: {  	[smem:$0x3FB1] =	sst s7  }
0x10: {  	[smem:$0x3FB2] =	sst s8  }
0x11: {  	[smem:$0x3FB3] =	sst s9;
	s0 =	simm.s32 @!p0 $0x0  }
0x12: {  	s1 =	sld [smem:$0x3F99];
	s0 =	simm.s32 @p0 $0x1  }
0x13: {  	[smem:$0x3FB4] =	sst s0;
	s0 =	simm.s32 @!p1 $0x0  }
0x14: {  	s2 =	sld [smem:$0x3F98];
	s0 =	simm.s32 @p1 $0x1  }
0x15: {  	[smem:$0x3FB5] =	sst s0;
	s0 =	simm.s32 @!p2 $0x0  }
0x16: {  	s3 =	sld [smem:$0x3FDB];
	s0 =	simm.s32 @p2 $0x1  }
0x17: {  	s4 =	simm.s32 $0x1BF5;
	[smem:$0x3FB7] =	sst s0  }
0x18: {  	s0 =	sld [smem:$0x3F9A];
	_ =	swait.ge [sflag:s4], $0x0  }
0x19: {  	s7 =	sld [smem:$0x3F9B]  }
0x1a: {  	s8 =	sadd.s32 $0xFFFFE003, lr  }
0x1b: {  	s9 =	sadd.s32 $0xFFFFFEF7, lr;
	s5 =	simm.s32 $0xFFFFFFFF;
	p2 =	slt.u32 s8, $0xFFFFF086  }
0x1c: {  	p1 =	slt.u32 s9, $0xF7A;
	s5 =	simm.s32 @!p2 $0x0  }
0x1d: {  	s5 =	simm.s32 @p1 $0x1;
	p0 =	seq.s32 s7, s2  }
0x1e: {  	s7 =	smul.u32 @!p0 $0xF7A, s2;
	p2 =	seq.s32 @!p0 s5, $0x0  }
0x1f: {  	s9 =	smul.u32 $0xF7A, s1;
	s8 =	simm.s32 @!p0 $0x1BF5;
	p2 =	por !p2, p0  }
0x20: {  	[sflag:s8] =	ssyncset.s32 @!p0 $0xFFFFF086;
	s6 =	sadd.s32 @!p0 s3, s7;
	s7 =	simm.s32 @!p0 $0x108  }
0x21: {  	s3 =	sadd.s32 s3, s9;
	s6 =	sadd.s32 @!p0 $0x88, s6;
	s7 =	simm.s32 @p2 $0x1082  }
0x22: {  	[simem:s7], [sflag:s8] =	dma.local @!p0 [hbm:s6], $0xF7A  }
0x23: {  	s9 =	sor.u32 $0xD0000000, s2;
	s6 =	simm.s32 $0x108;
	_ =	swait.ge @!p0 [sflag:s8], $0x0  }
0x24: {  	s3 =	sadd.s32 $0x88, s3;
	s6 =	simm.s32 @!p1 $0x1082;
	[sflag:s4] =	ssyncset.s32 $0xFFFFF086  }
0x25: {  	[simem:s6], [sflag:s4] =	dma.local [hbm:s3], $0xF7A  }
0x26: {  	[smem:$0x3F9B] =	sst s1;
	(tag) =	ssettag s2;
	_ =	strace s9  }
0x27: {  	s1 =	sld [smem:$0x3FAB]  }
0x28: {  	s2 =	sld [smem:$0x3FAC]  }
0x29: {  	s4 =	sld [smem:$0x3FAE]  }
0x2a: {  	p0 =	seq.s32 s5, $0x0;
	s5 =	sld [smem:$0x3FAF]  }
0x2b: {  	s6 =	sld [smem:$0x3FB0]  }
0x2c: {  	s7 =	sld [smem:$0x3FB1]  }
0x2d: {  	s3 =	simm.s32 $0x108;
	s8 =	sld [smem:$0x3FB2]  }
0x2e: {  	s3 =	simm.s32 @!p0 $0x1082;
	s9 =	sld [smem:$0x3FB3]  }
0x2f: {  	lr =	sadd.s32 s0, s3;
	s0 =	sld [smem:$0x3FAA]  }
0x30: {  	s3 =	sld [smem:$0x3FAD]  }
0x31: {  	[smem:$0x3FB6] =	sst s10  }
0x32: {  	s10 =	sld [smem:$0x3FB4];
	_ =	sdelay $0x3  }
0x33: {  	p0 =	seq.s32 s10, $0x1;
	s10 =	sld [smem:$0x3FB6];
	_ =	sdelay $0x3  }
0x34: {  	[smem:$0x3FB6] =	sst s10  }
0x35: {  	s10 =	sld [smem:$0x3FB5];
	_ =	sdelay $0x3  }
0x36: {  	p1 =	seq.s32 s10, $0x1;
	s10 =	sld [smem:$0x3FB6];
	_ =	sdelay $0x3  }
0x37: {  	[smem:$0x3FB6] =	sst s10  }
0x38: {  	s10 =	sld [smem:$0x3FB7]  }
0x39: {  	_ = 	snop;
	(pc) =	sbr.ind lr, $3  }
0x3a: {  	_ = 	snop  }
0x3b: {  	_ = 	snop  }
0x3c: {  	p2 =	seq.s32 s10, $0x1;
	s10 =	sld [smem:$0x3FB6]  }
0x3d: {  	_ =	shalt  }
0x3e: {  	_ =	shalt  }
0x3f: {  	_ =	shalt  }
0x40: {  	_ =	shalt  }
0x41: {  	_ =	shalt  }
0x42: {  	_ =	shalt  }
0x43: {  	_ =	shalt  }
0x44: {  	_ =	shalt  }
0x45: {  	_ =	shalt  }
0x46: {  	_ =	shalt  }
0x47: {  	_ =	shalt  }
0x48: {  	_ =	shalt  }
0x49: {  	_ =	shalt  }
0x4a: {  	_ =	shalt  }
0x4b: {  	_ =	shalt  }
0x4c: {  	_ =	shalt  }
0x4d: {  	_ =	shalt  }
0x4e: {  	_ =	shalt  }
0x4f: {  	_ =	shalt  }
0x50: {  	_ =	shalt  }
0x51: {  	_ =	shalt  }
0x52: {  	_ =	shalt  }
0x53: {  	_ =	shalt  }
0x54: {  	_ =	shalt  }
0x55: {  	_ =	shalt  }
0x56: {  	_ =	shalt  }
0x57: {  	_ =	shalt  }
0x58: {  	_ =	shalt  }
0x59: {  	_ =	shalt  }
0x5a: {  	_ =	shalt  }
0x5b: {  	_ =	shalt  }
0x5c: {  	_ =	shalt  }
0x5d: {  	_ =	shalt  }
0x5e: {  	_ =	shalt  }
0x5f: {  	_ =	shalt  }
0x60: {  	_ =	shalt  }
0x61: {  	_ =	shalt  }
0x62: {  	_ =	shalt  }
0x63: {  	_ =	shalt  }
0x64: {  	_ =	shalt  }
0x65: {  	_ =	shalt  }
0x66: {  	_ =	shalt  }
0x67: {  	_ =	shalt  }
0x68: {  	_ =	shalt  }
0x69: {  	_ =	shalt  }
0x6a: {  	_ =	shalt  }
0x6b: {  	_ =	shalt  }
0x6c: {  	_ =	shalt  }
0x6d: {  	_ =	shalt  }
0x6e: {  	_ =	shalt  }
0x6f: {  	_ =	shalt  }
0x70: {  	_ =	shalt  }
0x71: {  	_ =	shalt  }
0x72: {  	_ =	shalt  }
0x73: {  	_ =	shalt  }
0x74: {  	_ =	shalt  }
0x75: {  	_ =	shalt  }
0x76: {  	_ =	shalt  }
0x77: {  	_ =	shalt  }
0x78: {  	_ =	shalt  }
0x79: {  	_ =	shalt  }
0x7a: {  	_ =	shalt  }
0x7b: {  	_ =	shalt  }
0x7c: {  	_ =	shalt  }
0x7d: {  	_ =	shalt  }
0x7e: {  	_ =	shalt  }
0x7f: {  	_ =	shalt  }
0x80: {  	_ =	shalt  }
0x81: {  	_ =	shalt  }
0x82: {  	_ =	shalt  }
0x83: {  	_ =	shalt  }
0x84: {  	_ =	shalt  }
0x85: {  	_ =	shalt  }
0x86: {  	_ =	shalt  }
0x87: {  	_ =	shalt  }
.Lfunc_end0:
.L_simem_size_0:
called_computation.1_lowered:
.L_overlay_start_0:
0x88: {  	s2 =	sld [smem:$0x3FD9]  }
0x89: {  	s3 =	sld [smem:$0x3FFE];
	_ =	sdelay $0x1  }
0x8a: {  	s1 =	srdreg.scid  }
0x8b: {  	s0 =	sand.u32 $0x1, s1  }
0x8c: {  	s17 =	sshll.u32 s0, $0xA;
	s2 =	sadd.s32 s3, s2  }
0x8d: {  	s2 =	sadd.s32 s2, s17  }
0x8e: {  	[smem:$0x3FC2] =	sst s2  }
0x8f: {  	_ = 	snop  }
0x90: {  	s2 =	sld [smem:$0x3FD0];
	(tm) =	ssettm $0x1  }
0x91: {  	s18 =	sld [smem:$0x3FFB];
	_ =	sdelay $0x3  }
0x92: {  	_ =	strace s18  }
0x93: {  	s3 =	sld [smem:$0x3FFC];
	_ =	sdelay $0x3  }
0x94: {  	_ =	strace s3  }
0x95: {  	s3 =	sld [smem:$0x3FFD];
	_ =	sdelay $0x3  }
0x96: {  	_ =	strace s3  }
0x97: {  	_ =	strace $0x8FFFFFFF  }
0x98: {  	s19 =	sld [smem:$0x3FDB];
	_ =	sdelay $0x1  }
0x99: {  	s4 =	simm.s32 $_scs_section_size  }
0x9a: {  	s5 =	simm.s32 $_size__tile_overlayer_lowered;
	s6 =	simm.s32 $_tile_overlayer_lowered  }
0x9b: {  	s22 =	simm.s32 $0x1BFF;
	s21 =	sshll.u32 s6, $0x1;
	s3 =	sadd.s32 s4, s19  }
0x9c: {  	s7 =	simm.s32 $0x0;
	s20 =	sshll.u32 s5, $0x1;
	s5 =	sadd.s32 s21, s3  }
0x9d: {  	[timem:s7], [sflag:s22] =	dma.local [hbm:s5], s20  }
0x9e: {  	_ =	swait.ge [sflag:s22], s20  }
0x9f: {  	s4 =	ssub.s32 $0x0, s20;
	[sflag:s22] =	ssyncset.done $0x0  }
0xa0: {  	[sflag:s22] =	ssyncadd.s32 s4;
	_ =	sdelay $0x1  }
0xa1: {  	s23 =	simm.s32 $0x1B8B  }
0xa2: {  	_ =	swait.ge [sflag:s23], $0x1  }
0xa3: {  	[sflag:s23] =	ssyncset.done $0x0  }
0xa4: {  	s25 =	simm.s32 $0x1B8E;
	s24 =	sld [smem:$0x3FFE];
	[sflag:s23] =	ssyncadd.s32 $0xFFFFFFFF  }
0xa5: {  	s26 =	simm.s32 $execute0_lowered;
	[smem:$0x3FD2] =	sst s25  }
0xa6: {  	s5 =	sshll.u32 s26, $0x1;
	_ =	strace $0x80000049;
	[dreg:$0x1] =	wrdreg $0xFFFFFFFF  }
0xa7: {  	s28 =	simm.s32 $_size_execute0_lowered;
	s3 =	sadd.s32 s3, s5;
	[dreg:$0x0] =	wrdreg $0x0  }
0xa8: {  	s5 =	sshll.u32 s28, $0x1;
	[dreg:$0x2] =	wrdreg s3  }
0xa9: {  	[dreg:$0x3] =	wrdreg s5  }
0xaa: {  	[dreg:$0x4] =	wrdreg $0xC0  }
0xab: {  	_ =	task [dreg:s7], $0x5FFFF  }
0xac: {  	[dreg:$0x1] =	wrdreg $0xFFFFFFFF  }
0xad: {  	[dreg:$0x0] =	wrdreg $0x60  }
0xae: {  	[dreg:$0x2] =	wrdreg s24  }
0xaf: {  	[dreg:$0x3] =	wrdreg s2  }
0xb0: {  	[dreg:$0x4] =	wrdreg $0xB9800  }
0xb1: {  	[dreg:$0x5] =	wrdreg $0x9  }
0xb2: {  	_ =	task.clear_ibuf [dreg:s7], $0x6FFFF;
	_ =	strace $0x90000049  }
0xb3: {  	s29 =	simm.s32 $0x9;
	_ =	strace $0x8000004B  }
0xb4: {  	_ =	swait.ge [sflag:s29], $0x1  }
0xb5: {  	[sflag:s29] =	ssyncadd.s32 $0xFFFFFFFF  }
0xb6: {  	_ =	strace $0x9000004B  }
0xb7: {  	_ =	sfence  }
0xb8: {  	s30 =	sld [smem:$0x0];
	_ =	sdelay $0x2  }
0xb9: {  	s31 =	sshll.u32 s1, $0xD;
	s1 =	sshrl.u32 s1, $0x2  }
0xba: {  	s3 =	sand.u32 $0x4000, s31;
	s1 =	sadd.s32 s1, s30  }
0xbb: {  	s0 =	sor.u32 s3, s0;
	s1 =	sshll.u32 s1, $0x11  }
0xbc: {  	s0 =	sor.u32 s1, s0  }
0xbd: {  	s0 =	sadd.s32 $0x8F2B, s0  }
0xbe: {  	[sflag:s0] =	ssyncadd.remote.s32 $0x1  }
0xbf: {  	_ =	sfence.sel $0xFFFF  }
0xc0: {  	[dreg:$0x0] =	wrdreg $0xFFFFFFFF;
	(pc) =	sbr.abs _section_cstart, $3  }
0xc1: {  	[dreg:$0x1] =	wrdreg $0xFFFFFFFF  }
0xc2: {  	_ =	task.clear_ibuf [dreg:s7], $0x2FFFF;
	_ =	strace $0x9FFFFFFF  }
0xc3: {  	(tm) =	ssettm $0x7FFFFFFF  }
tec
execute0_lowered:
.L_overlay_start_1:
0x0: {  	(tag) =	ssettag $0x1  }
0x1: {  	s1 =	rddreg [dreg:$0x0]  }
0x2: {  	s0 =	srdreg.scid;
	s2 =	rddreg [dreg:$0x1]  }
0x3: {  	s18 =	stileid.u32;
	s22 =	rddreg [dreg:$0x2];
	s24 =	simm.s32 $0x0  }
0x4: {  	s29 =	simm.s32 $0x2880;
	s28 =	simm.s32 $0x2900;
	s7 =	smul.u32 $0x1F400, s18  }
0x5: {  	s31 =	simm.s32 $0xC;
	s0 =	sand.u32 $0x1, s0;
	s21 =	smul.u32 $0x4EC0, s18  }
0x6: {  	s3 =	sshll.u32 s18, $0x1;
	s10 =	sadd.s32 $0x15E00, s1;
	s9 =	smul.u32 $0x138800, s0  }
0x7: {  	s4 =	sor.u32 s0, s3;
	s6 =	ssub.s32 $0x2, s0;
	s0 =	smul.u32 $0x2760, s0  }
0x8: {  	[smem:$0x7FF] =	sst s24;
	p0 =	sgt.u32 s18, $0x9;
	s5 =	smul.u32 $0x2760, s4  }
0x9: {  	s8 =	sshrl.u32 s6, $0x1;
	s14 =	sadd.s32 $0x8000, s7;
	s16 =	sadd.s32 $0x14000, s7  }
0xa: {  	s6 =	ssub.s32 s6, s8;
	s8 =	sadd.s32 $0x4000, s7;
	s11 =	sadd.s32 s7, s9  }
0xb: {  	s13 =	sadd.s32 s9, s14;
	s17 =	sadd.s32 s9, s16;
	s0 =	sadd.s32 s0, s21  }
0xc: {  	s12 =	sadd.s32 s9, s8;
	s11 =	sshrl.u32 s11, $0x3;
	s3 =	sshrl.u32 s13, $0x3  }
0xd: {  	s19 =	sshrl.u32 s17, $0x3;
	s23 =	sshrl.u32 s5, $0x3;
	s6 =	smax.u32 s6, $0x1  }
0xe: {  	s12 =	sshrl.u32 s12, $0x3;
	s11 =	sadd.s32 s10, s11;
	s25 =	sadd.s32 s23, s1  }
0xf: {  	[dreg:$0x5] =	wrdreg s11;
	s30 =	sadd.s32 s10, s12;
	s11 =	sadd.s32 s10, s3  }
0x10: {  	s12 =	sadd.s32 $0x10000, s7;
	s26 =	sadd.s32 $0x2200, s25;
	[dreg:$0x6] =	wrdreg s30  }
0x11: {  	s3 =	smul.u32 $0x50000, s18;
	[dreg:$0x7] =	wrdreg s11;
	s11 =	sadd.s32 $0xC000, s7  }
0x12: {  	s15 =	sadd.s32 s9, s12;
	s30 =	sadd.s32 $0x48, s5;
	s5 =	sadd.s32 $0xD8, s5  }
0x13: {  	s4 =	sadd.s32 s9, s11;
	s15 =	sshrl.u32 s15, $0x3;
	s5 =	sshrl.u32 s5, $0x3  }
0x14: {  	s13 =	sshrl.u32 s4, $0x3;
	s15 =	sadd.s32 s10, s15;
	s4 =	smul.u32 $0x7D000, s18  }
0x15: {  	s13 =	sadd.s32 s10, s13;
	[dreg:$0x9] =	wrdreg s15;
	s15 =	sadd.s32 $0x18000, s7  }
0x16: {  	s7 =	sadd.s32 $0x1C000, s7;
	[dreg:$0x8] =	wrdreg s13;
	s13 =	sadd.s32 s10, s19  }
0x17: {  	s20 =	sadd.s32 s9, s15;
	s9 =	sadd.s32 s9, s7;
	s19 =	sshrl.u32 s3, $0x2  }
0x18: {  	s21 =	sshrl.u32 s4, $0x2;
	[dreg:$0xa] =	wrdreg s13;
	s13 =	sshrl.u32 s20, $0x3  }
0x19: {  	s7 =	sadd.s32 s7, s22;
	s9 =	sshrl.u32 s9, $0x3;
	s13 =	sadd.s32 s10, s13  }
0x1a: {  	s3 =	sadd.s32 $0x168, s0;
	s9 =	sadd.s32 s10, s9;
	[dreg:$0xb] =	wrdreg s13  }
0x1b: {  	s19 =	sadd.s32 s19, s22;
	s10 =	sadd.s32 s12, s22;
	[dreg:$0xc] =	wrdreg s9  }
0x1c: {  	s12 =	sadd.s32 s15, s22;
	_ =	strace $0x8000004A;
	[dreg:$0xd] =	wrdreg s26  }
0x1d: {  	s15 =	sadd.s32 $0x4000, s19;
	s9 =	sadd.s32 s11, s22;
	[dreg:$0x12] =	wrdreg s6  }
0x1e: {  	s11 =	sadd.s32 s16, s22;
	s16 =	sadd.s32 $0x6400, s19;
	[smem:$0x7F5] =	sst s15  }
0x1f: {  	s4 =	sshrl.u32 s3, $0x3;
	s18 =	sadd.s32 $0x8000, s19;
	[smem:$0x7F6] =	sst s16  }
0x20: {  	s13 =	sadd.s32 $0xC000, s1;
	s1 =	sshrl.u32 s30, $0x3;
	[smem:$0x7F7] =	sst s18  }
0x21: {  	s17 =	sadd.s32 s13, s23;
	s1 =	sadd.s32 s13, s1;
	[dreg:$0x10] =	wrdreg s19  }
0x22: {  	s20 =	sadd.s32 s13, s5;
	s5 =	sadd.s32 s8, s22;
	[dreg:$0x4] =	wrdreg s13  }
0x23: {  	s8 =	sadd.s32 s14, s22;
	s23 =	sadd.s32 $0x1F8, s0;
	[dreg:$0xf] =	wrdreg s1  }
0x24: {  	s26 =	sadd.s32 $0x1B0, s0;
	s0 =	sadd.s32 $0x120, s0;
	[dreg:$0x11] =	wrdreg s20  }
0x25: {  	s14 =	sadd.s32 $0x2400, s19;
	s18 =	simm.s32 $0xD;
	[dreg:$0x16] =	wrdreg s0  }
0x26: {  	s15 =	simm.s32 $0x48;
	s1 =	sadd.s32 s21, s22;
	[dreg:$0x1f] =	wrdreg s14  }
0x27: {  	s25 =	sshrl.u32 s23, $0x3;
	s20 =	sadd.s32 $0xA400, s19;
	[dreg:$0xe] =	wrdreg s17  }
0x28: {  	s30 =	sshrl.u32 s26, $0x3;
	s21 =	sadd.s32 $0xC000, s19;
	[smem:$0x7F8] =	sst s20  }
0x29: {  	s23 =	sadd.s32 $0xE400, s19;
	s26 =	sadd.s32 $0x12400, s19;
	[smem:$0x7F9] =	sst s21  }
0x2a: {  	s14 =	simm.s32 $0x8;
	s6 =	sadd.s32 s25, s13;
	[smem:$0x7FA] =	sst s23  }
0x2b: {  	s0 =	sshrl.u32 @!p0 s1, $0x3;
	s25 =	sadd.s32 $0x10000, s19;
	[smem:$0x7FC] =	sst s26  }
0x2c: {  	s19 =	simm.s32 $0x2780;
	s20 =	simm.s32 $0x2980;
	[dreg:$0x13] =	wrdreg s6  }
0x2d: {  	s23 =	simm.s32 $0x2800;
	s26 =	simm.s32 $0x7180;
	[dreg:$0x17] =	wrdreg s0  }
0x2e: {  	s21 =	simm.s32 $0x9580;
	s6 =	sadd.s32 s30, s13;
	[smem:$0x7FB] =	sst s25  }
0x2f: {  	s1 =	simm.s32 $0x1;
	s0 =	sshrl.u32 @!p0 s5, $0x3;
	[dreg:$0x14] =	wrdreg s6  }
0x30: {  	s30 =	sadd.s32 $0x12, s17;
	s25 =	simm.s32 $0x4D80;
	[dreg:$0x18] =	wrdreg s0  }
0x31: {  	s5 =	simm.s32 $0x9;
	s6 =	sadd.s32 s4, s13;
	[smem:$0x7FD] =	sst s30  }
0x32: {  	s0 =	sshrl.u32 @!p0 s8, $0x3;
	s8 =	simm.s32 $0xA;
	[dreg:$0x15] =	wrdreg s6  }
0x33: {  	[dreg:$0x19] =	wrdreg s0;
	s0 =	sshrl.u32 @!p0 s9, $0x3;
	s6 =	simm.s32 $0x2  }
0x34: {  	s9 =	simm.s32 $0x0;
	[dreg:$0x1a] =	wrdreg s0;
	s0 =	sshrl.u32 @!p0 s10, $0x3  }
0x35: {  	s10 =	simm.s32 $0x7;
	[dreg:$0x1b] =	wrdreg s0;
	s0 =	sshrl.u32 @!p0 s11, $0x3  }
0x36: {  	s11 =	simm.s32 $0xB;
	[dreg:$0x1c] =	wrdreg s0;
	s0 =	sshrl.u32 @!p0 s12, $0x3  }
0x37: {  	s12 =	simm.s32 $0x4;
	[dreg:$0x1d] =	wrdreg s0;
	s0 =	sshrl.u32 @!p0 s7, $0x3  }
0x38: {  	v0 =	vimm.f32 $0.0e+00;
	s7 =	simm.s32 $0x6;
	[dreg:$0x1e] =	wrdreg s0;
	s0 =	simm.s32 $0x5  }
.LBB2_1:
0x39: {  	[smem:$0x7F4] =	sst s9  }
0x3a: {  	s16 =	rddreg [dreg:$0xd]  }
0x3b: {  	[tilespmem:s24], [sflag:$0xD] =	stream.linear.gather [hbm4b:s16+s24], $0x2760, $0x38;
	[tilespmem:$0x1F980] =	vst v63  }
0x3c: {  	_ =	swait.ge [sflag:s18], $0x2760  }
0x3d: {  	[sflag:s18] =	ssyncset.done $0x0  }
0x3e: {  	s17 =	rddreg [dreg:$0xe];
	[sflag:s18] =	ssyncadd.s32 $0xFFFFD8A0  }
0x3f: {  	[tilespmem:s19], [sflag:$0x1] =	stream.linear.gather [hbm4b:s17+s24], $0x48, $0x38;
	[tilespmem:$0x1F980] =	vst v63  }
0x40: {  	_ = 	snop  }
0x41: {  	[tilespmem:s20], [sflag:$0x5] =	stream.indirect.gather [hbm4b:s2+s15], $0x80, s24, s15, $0xb8;
	[tilespmem:$0x1F980] =	vst v63  }
0x42: {  	s30 =	rddreg [dreg:$0xf]  }
0x43: {  	[tilespmem:s23], [sflag:$0x2] =	stream.linear.gather [hbm4b:s30+s24], $0x48, $0x38;
	[tilespmem:$0x1F980] =	vst v63  }
0x44: {  	s16 =	simm.s32 $0x0;
	s17 =	simm.s32 $0x200  }
0x45: {  	[tilespmem:s25], [sflag:$0x6] =	stream.indirect.gather [hbm4b:s2+s15], $0x80, s15, s15, $0xb8;
	[tilespmem:$0x1F980] =	vst v63  }
.LBB2_2:
0x46: {  	p1 =	sne.s32 s17, $0x8E00;
	[tilespmem:s16+$0x95F0] =	vst v0  }
0x47: {  	[tilespmem:s16+$0x7180] =	vst v0  }
0x48: {  	[tilespmem:s16+$0x9580] =	vst v0  }
0x49: {  	[tilespmem:s16+$0x7190] =	vst v0  }
0x4a: {  	[tilespmem:s16+$0x9590] =	vst v0  }
0x4b: {  	[tilespmem:s16+$0x71A0] =	vst v0  }
0x4c: {  	[tilespmem:s16+$0x95A0] =	vst v0  }
0x4d: {  	[tilespmem:s16+$0x71B0] =	vst v0  }
0x4e: {  	[tilespmem:s16+$0x95B0] =	vst v0  }
0x4f: {  	[tilespmem:s16+$0x71C0] =	vst v0  }
0x50: {  	[tilespmem:s16+$0x95C0] =	vst v0  }
.Ltmp0:
0x51: {  	[tilespmem:s16+$0x71D0] =	vst v0;
	(pc) =	sbr.rel @p1 .LBB2_2-.Ltmp0, $4  }
0x52: {  	[tilespmem:s16+$0x95D0] =	vst v0  }
0x53: {  	[tilespmem:s16+$0x71E0] =	vst v0  }
0x54: {  	[tilespmem:s16+$0x95E0] =	vst v0  }
0x55: {  	[tilespmem:s16+$0x71F0] =	vst v0;
	s16 =	sshra.s32 s17, $0x2;
	s17 =	sadd.s32 $0x200, s17  }
0x56: {  	[tilespmem:s16+$0x95F0] =	vst v0  }
0x57: {  	[tilespmem:s16+$0x7180] =	vst v0  }
0x58: {  	[tilespmem:s16+$0x9580] =	vst v0  }
0x59: {  	[tilespmem:s16+$0x7190] =	vst v0  }
0x5a: {  	[tilespmem:s16+$0x9590] =	vst v0  }
0x5b: {  	[tilespmem:s16+$0x71A0] =	vst v0  }
0x5c: {  	[tilespmem:s16+$0x95A0] =	vst v0  }
0x5d: {  	[tilespmem:s16+$0x71B0] =	vst v0  }
0x5e: {  	[tilespmem:s16+$0x95B0] =	vst v0  }
0x5f: {  	[tilespmem:s16+$0x71C0] =	vst v0  }
0x60: {  	[tilespmem:s16+$0x95C0] =	vst v0  }
0x61: {  	[tilespmem:s16+$0x71D0] =	vst v0  }
0x62: {  	[tilespmem:s16+$0x95D0] =	vst v0  }
0x63: {  	[tilespmem:s16+$0x71E0] =	vst v0  }
0x64: {  	[tilespmem:s16+$0x95E0] =	vst v0  }
0x65: {  	[tilespmem:s16+$0x71F0] =	vst v0;
	s30 =	rddreg [dreg:$0x10]  }
0x66: {  	[spmem:s30] =	stream.linear.scatter [tilespmem:s26], [sflag:$0xD], $0x2400, $0x38;
	[tilespmem:$0x1F980] =	vst v63  }
0x67: {  	_ =	swait.ge [sflag:s18], $0x2400  }
0x68: {  	[sflag:s18] =	ssyncset.done $0x0  }
0x69: {  	s3 =	rddreg [dreg:$0x1f];
	[sflag:s18] =	ssyncadd.s32 $0xFFFFDC00  }
0x6a: {  	[spmem:s3] =	stream.linear.scatter [tilespmem:s21], [sflag:$0xD], $0x1C00, $0x38;
	[tilespmem:$0x1F980] =	vst v63  }
0x6b: {  	_ =	swait.ge [sflag:s18], $0x1C00  }
0x6c: {  	s4 =	sld [smem:$0x7F5]  }
0x6d: {  	[sflag:s18] =	ssyncset.done $0x0  }
0x6e: {  	[sflag:s18] =	ssyncadd.s32 $0xFFFFE400  }
0x6f: {  	[spmem:s4] =	stream.linear.scatter [tilespmem:s26], [sflag:$0xD], $0x2400, $0x38;
	[tilespmem:$0x1F980] =	vst v63  }
0x70: {  	_ =	swait.ge [sflag:s18], $0x2400  }
0x71: {  	s9 =	sld [smem:$0x7F6]  }
0x72: {  	[sflag:s18] =	ssyncset.done $0x0  }
0x73: {  	[sflag:s18] =	ssyncadd.s32 $0xFFFFDC00  }
0x74: {  	[spmem:s9] =	stream.linear.scatter [tilespmem:s21], [sflag:$0xD], $0x1C00, $0x38;
	[tilespmem:$0x1F980] =	vst v63  }
0x75: {  	_ =	swait.ge [sflag:s18], $0x1C00  }
0x76: {  	s17 =	sld [smem:$0x7F7]  }
0x77: {  	[sflag:s18] =	ssyncset.done $0x0  }
0x78: {  	[sflag:s18] =	ssyncadd.s32 $0xFFFFE400  }
0x79: {  	[spmem:s17] =	stream.linear.scatter [tilespmem:s26], [sflag:$0xD], $0x2400, $0x38;
	[tilespmem:$0x1F980] =	vst v63  }
0x7a: {  	_ =	swait.ge [sflag:s18], $0x2400  }
0x7b: {  	s30 =	sld [smem:$0x7F8]  }
0x7c: {  	[sflag:s18] =	ssyncset.done $0x0  }
0x7d: {  	[sflag:s18] =	ssyncadd.s32 $0xFFFFDC00  }
0x7e: {  	[spmem:s30] =	stream.linear.scatter [tilespmem:s21], [sflag:$0xD], $0x1C00, $0x38;
	[tilespmem:$0x1F980] =	vst v63  }
0x7f: {  	_ =	swait.ge [sflag:s18], $0x1C00  }
0x80: {  	s3 =	sld [smem:$0x7F9]  }
0x81: {  	[sflag:s18] =	ssyncset.done $0x0  }
0x82: {  	[sflag:s18] =	ssyncadd.s32 $0xFFFFE400  }
0x83: {  	[spmem:s3] =	stream.linear.scatter [tilespmem:s26], [sflag:$0xD], $0x2400, $0x38;
	[tilespmem:$0x1F980] =	vst v63  }
0x84: {  	_ =	swait.ge [sflag:s18], $0x2400  }
0x85: {  	s4 =	sld [smem:$0x7FA]  }
0x86: {  	[sflag:s18] =	ssyncset.done $0x0  }
0x87: {  	[sflag:s18] =	ssyncadd.s32 $0xFFFFDC00  }
0x88: {  	[spmem:s4] =	stream.linear.scatter [tilespmem:s21], [sflag:$0xD], $0x1C00, $0x38;
	[tilespmem:$0x1F980] =	vst v63  }
0x89: {  	_ =	swait.ge [sflag:s18], $0x1C00  }
0x8a: {  	s9 =	sld [smem:$0x7FB]  }
0x8b: {  	[sflag:s18] =	ssyncset.done $0x0  }
0x8c: {  	[sflag:s18] =	ssyncadd.s32 $0xFFFFE400  }
0x8d: {  	[spmem:s9] =	stream.linear.scatter [tilespmem:s26], [sflag:$0xD], $0x2400, $0x38;
	[tilespmem:$0x1F980] =	vst v63  }
0x8e: {  	_ =	swait.ge [sflag:s18], $0x2400  }
0x8f: {  	s17 =	sld [smem:$0x7FC]  }
0x90: {  	[sflag:s18] =	ssyncset.done $0x0  }
0x91: {  	[sflag:s18] =	ssyncadd.s32 $0xFFFFDC00  }
0x92: {  	[spmem:s17] =	stream.linear.scatter [tilespmem:s21], [sflag:$0xD], $0x1C00, $0x38;
	[tilespmem:$0x1F980] =	vst v63  }
0x93: {  	_ =	swait.ge [sflag:s18], $0x1C00  }
0x94: {  	[sflag:s18] =	ssyncset.done $0x0  }
0x95: {  	[sflag:s18] =	ssyncadd.s32 $0xFFFFE400  }
0x96: {  	[bflag:$0x0] =	sbarrier.arrive $0xFFFF  }
0x97: {  	s17 =	sld [smem:$0x7FD];
	_ =	sdelay $0x1  }
0x98: {  	s18 =	simm.s32 $0x0  }
0x99: {  	[tilespmem:s29], [sflag:$0x3] =	stream.linear.gather [hbm4b:s17+s18], $0x48, $0x38;
	[tilespmem:$0x1F980] =	vst v63  }
0x9a: {  	s30 =	simm.s32 $0x90  }
0x9b: {  	[tilespmem:s26], [sflag:$0x7] =	stream.indirect.gather [hbm4b:s2+s15], $0x80, s30, s15, $0xb8;
	[tilespmem:$0x1F980] =	vst v63  }
0x9c: {  	s3 =	rddreg [dreg:$0x11]  }
0x9d: {  	[tilespmem:s28], [sflag:$0x4] =	stream.linear.gather [hbm4b:s3+s18], $0x48, $0x38;
	[tilespmem:$0x1F980] =	vst v63  }
0x9e: {  	s4 =	simm.s32 $0xD8  }
0x9f: {  	[tilespmem:s21], [sflag:$0x8] =	stream.indirect.gather [hbm4b:s2+s15], $0x80, s4, s15, $0xb8;
	[tilespmem:$0x1F980] =	vst v63  }
0xa0: {  	_ =	swait.ge [sflag:s1], $0x48  }
0xa1: {  	[sflag:s1] =	ssyncset.done $0x0  }
0xa2: {  	[sflag:s1] =	ssyncadd.s32 $0xFFFFFFB8  }
0xa3: {  	_ =	swait.ge [sflag:s0], $0x2400  }
0xa4: {  	[sflag:s0] =	ssyncset.done $0x0  }
0xa5: {  	[sflag:s0] =	ssyncadd.s32 $0xFFFFDC00  }
0xa6: {  	[spmem:s22] =	stream.indirect.scatter.add.f32 [tilespmem:s20], [sflag:$0x9], $0x80, s19, s15, $0xb8;
	[tilespmem:$0x1F980] =	vst v63  }
0xa7: {  	_ =	swait.ge [sflag:s5], $0x2400  }
0xa8: {  	s4 =	smov.u32 s22;
	s22 =	rddreg [dreg:$0x16]  }
0xa9: {  	[sflag:s5] =	ssyncset.done $0x0;
	s9 =	sshrl.u32 s22, $0x3  }
0xaa: {  	[sflag:s5] =	ssyncadd.s32 $0xFFFFDC00;
	s16 =	sadd.s32 s13, s9  }
0xab: {  	[tilespmem:s19], [sflag:$0x1] =	stream.linear.gather [hbm4b:s16+s24], $0x48, $0x38;
	[tilespmem:$0x1F980] =	vst v63  }
0xac: {  	s13 =	simm.s32 $0x120  }
0xad: {  	[tilespmem:s20], [sflag:$0x5] =	stream.indirect.gather [hbm4b:s2+s15], $0x80, s13, s15, $0xb8;
	[tilespmem:$0x1F980] =	vst v63  }
0xae: {  	_ =	swait.ge [sflag:s6], $0x48  }
0xaf: {  	[sflag:s6] =	ssyncset.done $0x0  }
0xb0: {  	[sflag:s6] =	ssyncadd.s32 $0xFFFFFFB8  }
0xb1: {  	_ =	swait.ge [sflag:s7], $0x2400  }
0xb2: {  	[sflag:s7] =	ssyncset.done $0x0  }
0xb3: {  	[sflag:s7] =	ssyncadd.s32 $0xFFFFDC00  }
0xb4: {  	[spmem:s4] =	stream.indirect.scatter.add.f32 [tilespmem:s25], [sflag:$0xA], $0x80, s23, s15, $0xb8;
	[tilespmem:$0x1F980] =	vst v63  }
0xb5: {  	_ =	swait.ge [sflag:s8], $0x2400  }
0xb6: {  	[sflag:s8] =	ssyncset.done $0x0  }
0xb7: {  	s18 =	simm.s32 $0x0;
	s19 =	rddreg [dreg:$0x15];
	[sflag:s8] =	ssyncadd.s32 $0xFFFFDC00  }
0xb8: {  	[tilespmem:s23], [sflag:$0x2] =	stream.linear.gather [hbm4b:s19+s18], $0x48, $0x38;
	[tilespmem:$0x1F980] =	vst v63  }
0xb9: {  	s3 =	smov.u32 s2;
	s9 =	simm.s32 $0x3;
	s23 =	simm.s32 $0x168  }
0xba: {  	[tilespmem:s25], [sflag:$0x6] =	stream.indirect.gather [hbm4b:s3+s15], $0x80, s23, s15, $0xb8;
	[tilespmem:$0x1F980] =	vst v63  }
0xbb: {  	_ =	swait.ge [sflag:s9], $0x48  }
0xbc: {  	[sflag:s9] =	ssyncset.done $0x0  }
0xbd: {  	[sflag:s9] =	ssyncadd.s32 $0xFFFFFFB8  }
0xbe: {  	_ =	swait.ge [sflag:s10], $0x2400  }
0xbf: {  	[sflag:s10] =	ssyncset.done $0x0  }
0xc0: {  	[sflag:s10] =	ssyncadd.s32 $0xFFFFDC00  }
0xc1: {  	[spmem:s4] =	stream.indirect.scatter.add.f32 [tilespmem:s26], [sflag:$0xB], $0x80, s29, s15, $0xb8;
	[tilespmem:$0x1F980] =	vst v63  }
0xc2: {  	_ =	swait.ge [sflag:s11], $0x2400  }
0xc3: {  	[sflag:s11] =	ssyncset.done $0x0  }
0xc4: {  	s24 =	rddreg [dreg:$0x14];
	[sflag:s11] =	ssyncadd.s32 $0xFFFFDC00  }
0xc5: {  	[tilespmem:s29], [sflag:$0x3] =	stream.linear.gather [hbm4b:s24+s18], $0x48, $0x38;
	[tilespmem:$0x1F980] =	vst v63  }
0xc6: {  	s30 =	simm.s32 $0x1B0  }
0xc7: {  	[tilespmem:s26], [sflag:$0x7] =	stream.indirect.gather [hbm4b:s3+s15], $0x80, s30, s15, $0xb8;
	[tilespmem:$0x1F980] =	vst v63  }
0xc8: {  	s17 =	simm.s32 $0x9580;
	_ =	swait.ge [sflag:s12], $0x48  }
0xc9: {  	s1 =	simm.s32 $0x1;
	s0 =	simm.s32 $0x5;
	[sflag:s12] =	ssyncset.done $0x0  }
0xca: {  	s5 =	simm.s32 $0x9;
	s22 =	sadd.s32 $0x120, s22;
	[sflag:s12] =	ssyncadd.s32 $0xFFFFFFB8  }
0xcb: {  	s16 =	simm.s32 $0x1F8;
	s20 =	simm.s32 $0x480;
	_ =	swait.ge [sflag:s14], $0x2400  }
0xcc: {  	s2 =	simm.s32 $0xC;
	s6 =	simm.s32 $0x2;
	[sflag:s14] =	ssyncset.done $0x0  }
0xcd: {  	s7 =	simm.s32 $0x6;
	s8 =	simm.s32 $0xA;
	[sflag:s14] =	ssyncadd.s32 $0xFFFFDC00  }
0xce: {  	[spmem:s4] =	stream.indirect.scatter.add.f32 [tilespmem:s17], [sflag:$0xC], $0x80, s28, s15, $0xb8;
	[tilespmem:$0x1F980] =	vst v63  }
0xcf: {  	s21 =	sadd.s32 $0x24, s19;
	s25 =	simm.s32 $0x2800;
	_ =	swait.ge [sflag:s31], $0x2400  }
0xd0: {  	s11 =	simm.s32 $0xB;
	s29 =	simm.s32 $0x7180;
	[sflag:s31] =	ssyncset.done $0x0  }
0xd1: {  	s26 =	simm.s32 $0x4D80;
	[sflag:s31] =	ssyncadd.s32 $0xFFFFDC00;
	s31 =	rddreg [dreg:$0x13]  }
0xd2: {  	[tilespmem:s28], [sflag:$0x4] =	stream.linear.gather [hbm4b:s31+s18], $0x48, $0x38;
	[tilespmem:$0x1F980] =	vst v63  }
0xd3: {  	s17 =	sadd.s32 $0x24, s24;
	s28 =	simm.s32 $0x2880;
	s23 =	sadd.s32 $0x24, s31  }
.LBB2_4:
0xd4: {  	s19 =	simm.s32 $0x9580  }
0xd5: {  	[tilespmem:s19], [sflag:$0x8] =	stream.indirect.gather [hbm4b:s3+s15], $0x80, s16, s15, $0xb8;
	[tilespmem:$0x1F980] =	vst v63  }
0xd6: {  	_ =	swait.ge [sflag:s1], $0x48  }
0xd7: {  	[sflag:s1] =	ssyncset.done $0x0  }
0xd8: {  	[sflag:s1] =	ssyncadd.s32 $0xFFFFFFB8  }
0xd9: {  	_ =	swait.ge [sflag:s0], $0x2400  }
0xda: {  	[sflag:s0] =	ssyncset.done $0x0  }
0xdb: {  	s24 =	simm.s32 $0x2780;
	s31 =	simm.s32 $0x2980;
	[sflag:s0] =	ssyncadd.s32 $0xFFFFDC00  }
0xdc: {  	[spmem:s4] =	stream.indirect.scatter.add.f32 [tilespmem:s31], [sflag:$0x9], $0x80, s24, s15, $0xb8;
	[tilespmem:$0x1F980] =	vst v63  }
0xdd: {  	s13 =	sshrl.u32 s22, $0x3;
	_ =	swait.ge [sflag:s5], $0x2400  }
0xde: {  	s16 =	smov.u32 s20;
	[sflag:s5] =	ssyncset.done $0x0;
	s30 =	rddreg [dreg:$0x4]  }
0xdf: {  	s16 =	sshra.s32 s16, $0x2;
	[sflag:s5] =	ssyncadd.s32 $0xFFFFDC00;
	s13 =	sadd.s32 s30, s13  }
0xe0: {  	[tilespmem:s24], [sflag:$0x1] =	stream.linear.gather [hbm4b:s13+s18], $0x48, $0x38;
	[tilespmem:$0x1F980] =	vst v63  }
0xe1: {  	s13 =	sadd.s32 $0x120, s16  }
0xe2: {  	[tilespmem:s31], [sflag:$0x5] =	stream.indirect.gather [hbm4b:s3+s15], $0x80, s13, s15, $0xb8;
	[tilespmem:$0x1F980] =	vst v63  }
0xe3: {  	_ =	swait.ge [sflag:s6], $0x48  }
0xe4: {  	[sflag:s6] =	ssyncset.done $0x0  }
0xe5: {  	[sflag:s6] =	ssyncadd.s32 $0xFFFFFFB8  }
0xe6: {  	_ =	swait.ge [sflag:s7], $0x2400  }
0xe7: {  	[sflag:s7] =	ssyncset.done $0x0  }
0xe8: {  	[sflag:s7] =	ssyncadd.s32 $0xFFFFDC00  }
0xe9: {  	[spmem:s4] =	stream.indirect.scatter.add.f32 [tilespmem:s26], [sflag:$0xA], $0x80, s25, s15, $0xb8;
	[tilespmem:$0x1F980] =	vst v63  }
0xea: {  	_ =	swait.ge [sflag:s8], $0x2400  }
0xeb: {  	[sflag:s8] =	ssyncset.done $0x0  }
0xec: {  	[sflag:s8] =	ssyncadd.s32 $0xFFFFDC00  }
0xed: {  	[tilespmem:s25], [sflag:$0x2] =	stream.linear.gather [hbm4b:s21+s18], $0x48, $0x38;
	[tilespmem:$0x1F980] =	vst v63  }
0xee: {  	s31 =	sadd.s32 $0x168, s16  }
0xef: {  	[tilespmem:s26], [sflag:$0x6] =	stream.indirect.gather [hbm4b:s3+s15], $0x80, s31, s15, $0xb8;
	[tilespmem:$0x1F980] =	vst v63  }
0xf0: {  	_ =	swait.ge [sflag:s9], $0x48  }
0xf1: {  	[sflag:s9] =	ssyncset.done $0x0  }
0xf2: {  	[sflag:s9] =	ssyncadd.s32 $0xFFFFFFB8  }
0xf3: {  	_ =	swait.ge [sflag:s10], $0x2400  }
0xf4: {  	[sflag:s10] =	ssyncset.done $0x0  }
0xf5: {  	[sflag:s10] =	ssyncadd.s32 $0xFFFFDC00  }
0xf6: {  	[spmem:s4] =	stream.indirect.scatter.add.f32 [tilespmem:s29], [sflag:$0xB], $0x80, s28, s15, $0xb8;
	[tilespmem:$0x1F980] =	vst v63  }
0xf7: {  	_ =	swait.ge [sflag:s11], $0x2400  }
0xf8: {  	[sflag:s11] =	ssyncset.done $0x0  }
0xf9: {  	[sflag:s11] =	ssyncadd.s32 $0xFFFFDC00  }
0xfa: {  	[tilespmem:s28], [sflag:$0x3] =	stream.linear.gather [hbm4b:s17+s18], $0x48, $0x38;
	[tilespmem:$0x1F980] =	vst v63  }
0xfb: {  	s31 =	sadd.s32 $0x1B0, s16  }
0xfc: {  	[tilespmem:s29], [sflag:$0x7] =	stream.indirect.gather [hbm4b:s3+s15], $0x80, s31, s15, $0xb8;
	[tilespmem:$0x1F980] =	vst v63  }
0xfd: {  	_ =	swait.ge [sflag:s12], $0x48  }
0xfe: {  	[sflag:s12] =	ssyncset.done $0x0  }
0xff: {  	[sflag:s12] =	ssyncadd.s32 $0xFFFFFFB8  }
0x100: {  	_ =	swait.ge [sflag:s14], $0x2400  }
0x101: {  	p1 =	sne.s32 s20, $0x9480;
	[sflag:s14] =	ssyncset.done $0x0  }
0x102: {  	s22 =	sadd.s32 $0x120, s22;
	s31 =	simm.s32 $0x2900;
	[sflag:s14] =	ssyncadd.s32 $0xFFFFDC00  }
0x103: {  	[spmem:s4] =	stream.indirect.scatter.add.f32 [tilespmem:s19], [sflag:$0xC], $0x80, s31, s15, $0xb8;
	[tilespmem:$0x1F980] =	vst v63  }
.Ltmp1:
0x104: {  	s20 =	sadd.s32 $0x480, s20;
	_ =	swait.ge [sflag:s2], $0x2400;
	(pc) =	sbr.rel @p1 .LBB2_4-.Ltmp1, $4  }
0x105: {  	s30 =	simm.s32 $0x2780;
	s24 =	simm.s32 $0x2980;
	[sflag:s2] =	ssyncset.done $0x0  }
0x106: {  	s21 =	sadd.s32 $0x24, s21;
	s16 =	sadd.s32 $0x1F8, s16;
	[sflag:s2] =	ssyncadd.s32 $0xFFFFDC00  }
0x107: {  	[tilespmem:s31], [sflag:$0x4] =	stream.linear.gather [hbm4b:s23+s18], $0x48, $0x38;
	[tilespmem:$0x1F980] =	vst v63  }
0x108: {  	s17 =	sadd.s32 $0x24, s17;
	s19 =	simm.s32 $0x2900;
	s23 =	sadd.s32 $0x24, s23  }
0x109: {  	s13 =	simm.s32 $0x9580  }
0x10a: {  	[tilespmem:s13], [sflag:$0x8] =	stream.indirect.gather [hbm4b:s3+s15], $0x80, s16, s15, $0xb8;
	[tilespmem:$0x1F980] =	vst v63  }
0x10b: {  	_ =	swait.ge [sflag:s1], $0x48  }
0x10c: {  	[sflag:s1] =	ssyncset.done $0x0  }
0x10d: {  	[sflag:s1] =	ssyncadd.s32 $0xFFFFFFB8  }
0x10e: {  	_ =	swait.ge [sflag:s0], $0x2400  }
0x10f: {  	[sflag:s0] =	ssyncset.done $0x0  }
0x110: {  	[sflag:s0] =	ssyncadd.s32 $0xFFFFDC00  }
0x111: {  	[spmem:s4] =	stream.indirect.scatter.add.f32 [tilespmem:s24], [sflag:$0x9], $0x80, s30, s15, $0xb8;
	[tilespmem:$0x1F980] =	vst v63  }
0x112: {  	_ =	swait.ge [sflag:s6], $0x48  }
0x113: {  	[sflag:s6] =	ssyncset.done $0x0  }
0x114: {  	[sflag:s6] =	ssyncadd.s32 $0xFFFFFFB8  }
0x115: {  	_ =	swait.ge [sflag:s7], $0x2400  }
0x116: {  	[sflag:s7] =	ssyncset.done $0x0  }
0x117: {  	[sflag:s7] =	ssyncadd.s32 $0xFFFFDC00  }
0x118: {  	[spmem:s4] =	stream.indirect.scatter.add.f32 [tilespmem:s26], [sflag:$0xA], $0x80, s25, s15, $0xb8;
	[tilespmem:$0x1F980] =	vst v63  }
0x119: {  	_ =	swait.ge [sflag:s9], $0x48  }
0x11a: {  	[sflag:s9] =	ssyncset.done $0x0  }
0x11b: {  	[sflag:s9] =	ssyncadd.s32 $0xFFFFFFB8  }
0x11c: {  	_ =	swait.ge [sflag:s10], $0x2400  }
0x11d: {  	[sflag:s10] =	ssyncset.done $0x0  }
0x11e: {  	[sflag:s10] =	ssyncadd.s32 $0xFFFFDC00  }
0x11f: {  	[spmem:s4] =	stream.indirect.scatter.add.f32 [tilespmem:s29], [sflag:$0xB], $0x80, s28, s15, $0xb8;
	[tilespmem:$0x1F980] =	vst v63  }
0x120: {  	_ =	swait.ge [sflag:s12], $0x48  }
0x121: {  	[sflag:s12] =	ssyncset.done $0x0  }
0x122: {  	[sflag:s12] =	ssyncadd.s32 $0xFFFFFFB8  }
0x123: {  	_ =	swait.ge [sflag:s14], $0x2400  }
0x124: {  	[sflag:s14] =	ssyncset.done $0x0  }
0x125: {  	[sflag:s14] =	ssyncadd.s32 $0xFFFFDC00  }
0x126: {  	[spmem:s4] =	stream.indirect.scatter.add.f32 [tilespmem:s13], [sflag:$0xC], $0x80, s19, s15, $0xb8;
	[tilespmem:$0x1F980] =	vst v63  }
0x127: {  	_ =	swait.ge [sflag:s5], $0x2400  }
0x128: {  	[sflag:s5] =	ssyncset.done $0x0  }
0x129: {  	[sflag:s5] =	ssyncadd.s32 $0xFFFFDC00  }
0x12a: {  	_ =	swait.ge [sflag:s8], $0x2400  }
0x12b: {  	[sflag:s8] =	ssyncset.done $0x0  }
0x12c: {  	[sflag:s8] =	ssyncadd.s32 $0xFFFFDC00  }
0x12d: {  	_ =	swait.ge [sflag:s11], $0x2400  }
0x12e: {  	[sflag:s11] =	ssyncset.done $0x0  }
0x12f: {  	[sflag:s11] =	ssyncadd.s32 $0xFFFFDC00  }
0x130: {  	_ =	swait.ge [sflag:s2], $0x2400  }
0x131: {  	[sflag:s2] =	ssyncset.done $0x0  }
0x132: {  	[sflag:s2] =	ssyncadd.s32 $0xFFFFDC00  }
0x133: {  	s13 =	stileid.u32;
	[bflag:$0x0] =	sbarrier.arrive $0xFFFF  }
0x134: {  	s13 =	sshll.u32 @!p0 s13, $0x6;
	s16 =	rddreg [dreg:$0x5]  }
0x135: {  	s13 =	sor.u32 @!p0 $0x1C0D, s13;
	s17 =	rddreg [dreg:$0x17]  }
0x136: {  	[hbm:s16], [sflag:s13] =	dma.local @!p0 [spmem:s17], $0x800  }
0x137: {  	s16 =	simm.s32 @!p0 $0xD  }
0x138: {  	_ =	swait.ge @!p0 [sflag:s16], $0x800  }
0x139: {  	[sflag:s16] =	ssyncset.done @!p0 $0x0;
	s17 =	rddreg [dreg:$0x6]  }
0x13a: {  	s20 =	rddreg [dreg:$0x18];
	[sflag:s16] =	ssyncadd.s32 @!p0 $0xFFFFF800  }
0x13b: {  	[hbm:s17], [sflag:s13] =	dma.local @!p0 [spmem:s20], $0x800  }
0x13c: {  	_ =	swait.ge @!p0 [sflag:s16], $0x800  }
0x13d: {  	[sflag:s16] =	ssyncset.done @!p0 $0x0;
	s17 =	rddreg [dreg:$0x7]  }
0x13e: {  	s20 =	rddreg [dreg:$0x19];
	[sflag:s16] =	ssyncadd.s32 @!p0 $0xFFFFF800  }
0x13f: {  	[hbm:s17], [sflag:s13] =	dma.local @!p0 [spmem:s20], $0x800  }
0x140: {  	_ =	swait.ge @!p0 [sflag:s16], $0x800  }
0x141: {  	[sflag:s16] =	ssyncset.done @!p0 $0x0;
	s17 =	rddreg [dreg:$0x8]  }
0x142: {  	s20 =	rddreg [dreg:$0x1a];
	[sflag:s16] =	ssyncadd.s32 @!p0 $0xFFFFF800  }
0x143: {  	[hbm:s17], [sflag:s13] =	dma.local @!p0 [spmem:s20], $0x800  }
0x144: {  	_ =	swait.ge @!p0 [sflag:s16], $0x800  }
0x145: {  	[sflag:s16] =	ssyncset.done @!p0 $0x0;
	s17 =	rddreg [dreg:$0x9]  }
0x146: {  	s20 =	rddreg [dreg:$0x1b];
	[sflag:s16] =	ssyncadd.s32 @!p0 $0xFFFFF800  }
0x147: {  	[hbm:s17], [sflag:s13] =	dma.local @!p0 [spmem:s20], $0x800  }
0x148: {  	_ =	swait.ge @!p0 [sflag:s16], $0x800  }
0x149: {  	[sflag:s16] =	ssyncset.done @!p0 $0x0;
	s17 =	rddreg [dreg:$0xa]  }
0x14a: {  	s20 =	rddreg [dreg:$0x1c];
	[sflag:s16] =	ssyncadd.s32 @!p0 $0xFFFFF800  }
0x14b: {  	[hbm:s17], [sflag:s13] =	dma.local @!p0 [spmem:s20], $0x800  }
0x14c: {  	_ =	swait.ge @!p0 [sflag:s16], $0x800  }
0x14d: {  	[sflag:s16] =	ssyncset.done @!p0 $0x0;
	s17 =	rddreg [dreg:$0xb]  }
0x14e: {  	s20 =	rddreg [dreg:$0x1d];
	[sflag:s16] =	ssyncadd.s32 @!p0 $0xFFFFF800  }
0x14f: {  	[hbm:s17], [sflag:s13] =	dma.local @!p0 [spmem:s20], $0x800  }
0x150: {  	_ =	swait.ge @!p0 [sflag:s16], $0x800  }
0x151: {  	[sflag:s16] =	ssyncset.done @!p0 $0x0;
	s17 =	rddreg [dreg:$0xc]  }
0x152: {  	s20 =	rddreg [dreg:$0x1e];
	[sflag:s16] =	ssyncadd.s32 @!p0 $0xFFFFF800  }
0x153: {  	[hbm:s17], [sflag:s13] =	dma.local @!p0 [spmem:s20], $0x680  }
0x154: {  	_ =	swait.ge @!p0 [sflag:s16], $0x680  }
0x155: {  	s26 =	sld [smem:$0x7F4]  }
0x156: {  	s18 =	simm.s32 $0xD;
	s23 =	simm.s32 $0x2800;
	s21 =	simm.s32 $0x9580  }
0x157: {  	s31 =	simm.s32 $0xC;
	s22 =	smov.u32 s4;
	s1 =	simm.s32 $0x1  }
0x158: {  	s0 =	simm.s32 $0x5;
	s30 =	rddreg [dreg:$0x12];
	s9 =	sadd.s32 $0x1, s26  }
0x159: {  	s24 =	simm.s32 $0x0;
	s6 =	simm.s32 $0x2;
	p1 =	sne.s32 s9, s30  }
.Ltmp2:
0x15a: {  	s7 =	simm.s32 $0x6;
	s25 =	simm.s32 $0x4D80;
	(pc) =	sbr.rel @p1 .LBB2_1-.Ltmp2, $4  }
0x15b: {  	s29 =	simm.s32 $0x2880;
	s28 =	simm.s32 $0x2900;
	s19 =	simm.s32 $0x2780  }
0x15c: {  	s5 =	simm.s32 $0x9;
	s8 =	simm.s32 $0xA;
	s11 =	simm.s32 $0xB  }
0x15d: {  	s2 =	smov.u32 s3;
	s20 =	simm.s32 $0x2980;
	[sflag:s16] =	ssyncset.done @!p0 $0x0  }
0x15e: {  	s13 =	rddreg [dreg:$0x4];
	[sflag:s16] =	ssyncadd.s32 @!p0 $0xFFFFF980;
	s26 =	simm.s32 $0x7180  }
0x15f: {  	_ =	sfence.sel $0x180000  }
0x160: {  	[bflag:$0x0] =	sbarrier.arrive $0xFFFF  }
0x161: {  	_ =	strace $0x9000004A  }
0x162: {  	s0 =	stileid.u32;
	[bflag:$0x2] =	sbarrier.arrive $0xFFFF  }
0x163: {  	p0 =	sne.s32 s0, $0x0;
	s0 =	rddreg [dreg:$0x3]  }
0x164: {  	s0 =	sadd.s32 @!p0 $0x100000, s0  }
0x165: {  	[sflag:s0] =	ssyncadd.tile.s32 @!p0 $0x1;
	_ =	shalt  }
.Lfunc_end2:
_tile_overlayer_lowered:
.L_overlay_start_2:
0x166: {  	(tag) =	ssettag $0x2  }
0x167: {  	s0 =	rddreg [dreg:$0x0];
	s2 =	stileid.u32  }
0x168: {  	s1 =	rddreg [dreg:$0x1];
	p0 =	sne.s32 s2, $0x0  }
0x169: {  	s3 =	rddreg [dreg:$0x2];
	[bflag:$0x3] =	sbarrier.arrive $0xFFFF;
	s2 =	simm.s32 @!p0 $0x1C0D  }
0x16a: {  	[timem:s3], [sflag:s2] =	dma.local @!p0 [hbm:s0], s1  }
0x16b: {  	s0 =	simm.s32 @!p0 $0xD  }
0x16c: {  	_ =	swait.ge @!p0 [sflag:s0], s1  }
0x16d: {  	s1 =	ssub.s32 @!p0 $0x0, s1;
	[sflag:s0] =	ssyncset.done @!p0 $0x0  }
0x16e: {  	[sflag:s0] =	ssyncadd.s32 @!p0 s1  }
0x16f: {  	[bflag:$0x3] =	sbarrier.arrive $0xFFFF  }
0x170: {  	_ =	shalt  }

// kernel: kernel.9.cloned.1.call-start
scs
__scs_entry_jumppad:
0x0: {  	(pc) =	sbr.rel $0x88, $3  }
0x1: {  	(tag) =	ssettag $0x0;
	lr =	simm.s32 $0x1  }
0x2: {  	[smem:$0x3F9B] =	sst lr;
	_ =	strace $0xD0000000  }
0x3: {  	_ = 	snop  }
0x4: {  	_ = 	snop  }
0x5: {  	_ = 	snop  }
0x6: {  	_ = 	snop  }
0x7: {  	_ = 	snop  }
__scs_overlays_trampoline_lowered:
0x8: {  	[smem:$0x3FAA] =	sst s0  }
0x9: {  	[smem:$0x3FAB] =	sst s1  }
0xa: {  	[smem:$0x3FAC] =	sst s2  }
0xb: {  	[smem:$0x3FAD] =	sst s3  }
0xc: {  	[smem:$0x3FAE] =	sst s4  }
0xd: {  	[smem:$0x3FAF] =	sst s5  }
0xe: {  	[smem:$0x3FB0] =	sst s6  }
0xf: {  	[smem:$0x3FB1] =	sst s7  }
0x10: {  	[smem:$0x3FB2] =	sst s8  }
0x11: {  	[smem:$0x3FB3] =	sst s9;
	s0 =	simm.s32 @!p0 $0x0  }
0x12: {  	s1 =	sld [smem:$0x3F99];
	s0 =	simm.s32 @p0 $0x1  }
0x13: {  	[smem:$0x3FB4] =	sst s0;
	s0 =	simm.s32 @!p1 $0x0  }
0x14: {  	s2 =	sld [smem:$0x3F98];
	s0 =	simm.s32 @p1 $0x1  }
0x15: {  	[smem:$0x3FB5] =	sst s0;
	s0 =	simm.s32 @!p2 $0x0  }
0x16: {  	s3 =	sld [smem:$0x3FDB];
	s0 =	simm.s32 @p2 $0x1  }
0x17: {  	s4 =	simm.s32 $0x1BF5;
	[smem:$0x3FB7] =	sst s0  }
0x18: {  	s0 =	sld [smem:$0x3F9A];
	_ =	swait.ge [sflag:s4], $0x0  }
0x19: {  	s7 =	sld [smem:$0x3F9B]  }
0x1a: {  	s8 =	sadd.s32 $0xFFFFE003, lr  }
0x1b: {  	s9 =	sadd.s32 $0xFFFFFEF7, lr;
	s5 =	simm.s32 $0xFFFFFFFF;
	p2 =	slt.u32 s8, $0xFFFFF086  }
0x1c: {  	p1 =	slt.u32 s9, $0xF7A;
	s5 =	simm.s32 @!p2 $0x0  }
0x1d: {  	s5 =	simm.s32 @p1 $0x1;
	p0 =	seq.s32 s7, s2  }
0x1e: {  	s7 =	smul.u32 @!p0 $0xF7A, s2;
	p2 =	seq.s32 @!p0 s5, $0x0  }
0x1f: {  	s9 =	smul.u32 $0xF7A, s1;
	s8 =	simm.s32 @!p0 $0x1BF5;
	p2 =	por !p2, p0  }
0x20: {  	[sflag:s8] =	ssyncset.s32 @!p0 $0xFFFFF086;
	s6 =	sadd.s32 @!p0 s3, s7;
	s7 =	simm.s32 @!p0 $0x108  }
0x21: {  	s3 =	sadd.s32 s3, s9;
	s6 =	sadd.s32 @!p0 $0x88, s6;
	s7 =	simm.s32 @p2 $0x1082  }
0x22: {  	[simem:s7], [sflag:s8] =	dma.local @!p0 [hbm:s6], $0xF7A  }
0x23: {  	s9 =	sor.u32 $0xD0000000, s2;
	s6 =	simm.s32 $0x108;
	_ =	swait.ge @!p0 [sflag:s8], $0x0  }
0x24: {  	s3 =	sadd.s32 $0x88, s3;
	s6 =	simm.s32 @!p1 $0x1082;
	[sflag:s4] =	ssyncset.s32 $0xFFFFF086  }
0x25: {  	[simem:s6], [sflag:s4] =	dma.local [hbm:s3], $0xF7A  }
0x26: {  	[smem:$0x3F9B] =	sst s1;
	(tag) =	ssettag s2;
	_ =	strace s9  }
0x27: {  	s1 =	sld [smem:$0x3FAB]  }
0x28: {  	s2 =	sld [smem:$0x3FAC]  }
0x29: {  	s4 =	sld [smem:$0x3FAE]  }
0x2a: {  	p0 =	seq.s32 s5, $0x0;
	s5 =	sld [smem:$0x3FAF]  }
0x2b: {  	s6 =	sld [smem:$0x3FB0]  }
0x2c: {  	s7 =	sld [smem:$0x3FB1]  }
0x2d: {  	s3 =	simm.s32 $0x108;
	s8 =	sld [smem:$0x3FB2]  }
0x2e: {  	s3 =	simm.s32 @!p0 $0x1082;
	s9 =	sld [smem:$0x3FB3]  }
0x2f: {  	lr =	sadd.s32 s0, s3;
	s0 =	sld [smem:$0x3FAA]  }
0x30: {  	s3 =	sld [smem:$0x3FAD]  }
0x31: {  	[smem:$0x3FB6] =	sst s10  }
0x32: {  	s10 =	sld [smem:$0x3FB4];
	_ =	sdelay $0x3  }
0x33: {  	p0 =	seq.s32 s10, $0x1;
	s10 =	sld [smem:$0x3FB6];
	_ =	sdelay $0x3  }
0x34: {  	[smem:$0x3FB6] =	sst s10  }
0x35: {  	s10 =	sld [smem:$0x3FB5];
	_ =	sdelay $0x3  }
0x36: {  	p1 =	seq.s32 s10, $0x1;
	s10 =	sld [smem:$0x3FB6];
	_ =	sdelay $0x3  }
0x37: {  	[smem:$0x3FB6] =	sst s10  }
0x38: {  	s10 =	sld [smem:$0x3FB7]  }
0x39: {  	_ = 	snop;
	(pc) =	sbr.ind lr, $3  }
0x3a: {  	_ = 	snop  }
0x3b: {  	_ = 	snop  }
0x3c: {  	p2 =	seq.s32 s10, $0x1;
	s10 =	sld [smem:$0x3FB6]  }
0x3d: {  	_ =	shalt  }
0x3e: {  	_ =	shalt  }
0x3f: {  	_ =	shalt  }
0x40: {  	_ =	shalt  }
0x41: {  	_ =	shalt  }
0x42: {  	_ =	shalt  }
0x43: {  	_ =	shalt  }
0x44: {  	_ =	shalt  }
0x45: {  	_ =	shalt  }
0x46: {  	_ =	shalt  }
0x47: {  	_ =	shalt  }
0x48: {  	_ =	shalt  }
0x49: {  	_ =	shalt  }
0x4a: {  	_ =	shalt  }
0x4b: {  	_ =	shalt  }
0x4c: {  	_ =	shalt  }
0x4d: {  	_ =	shalt  }
0x4e: {  	_ =	shalt  }
0x4f: {  	_ =	shalt  }
0x50: {  	_ =	shalt  }
0x51: {  	_ =	shalt  }
0x52: {  	_ =	shalt  }
0x53: {  	_ =	shalt  }
0x54: {  	_ =	shalt  }
0x55: {  	_ =	shalt  }
0x56: {  	_ =	shalt  }
0x57: {  	_ =	shalt  }
0x58: {  	_ =	shalt  }
0x59: {  	_ =	shalt  }
0x5a: {  	_ =	shalt  }
0x5b: {  	_ =	shalt  }
0x5c: {  	_ =	shalt  }
0x5d: {  	_ =	shalt  }
0x5e: {  	_ =	shalt  }
0x5f: {  	_ =	shalt  }
0x60: {  	_ =	shalt  }
0x61: {  	_ =	shalt  }
0x62: {  	_ =	shalt  }
0x63: {  	_ =	shalt  }
0x64: {  	_ =	shalt  }
0x65: {  	_ =	shalt  }
0x66: {  	_ =	shalt  }
0x67: {  	_ =	shalt  }
0x68: {  	_ =	shalt  }
0x69: {  	_ =	shalt  }
0x6a: {  	_ =	shalt  }
0x6b: {  	_ =	shalt  }
0x6c: {  	_ =	shalt  }
0x6d: {  	_ =	shalt  }
0x6e: {  	_ =	shalt  }
0x6f: {  	_ =	shalt  }
0x70: {  	_ =	shalt  }
0x71: {  	_ =	shalt  }
0x72: {  	_ =	shalt  }
0x73: {  	_ =	shalt  }
0x74: {  	_ =	shalt  }
0x75: {  	_ =	shalt  }
0x76: {  	_ =	shalt  }
0x77: {  	_ =	shalt  }
0x78: {  	_ =	shalt  }
0x79: {  	_ =	shalt  }
0x7a: {  	_ =	shalt  }
0x7b: {  	_ =	shalt  }
0x7c: {  	_ =	shalt  }
0x7d: {  	_ =	shalt  }
0x7e: {  	_ =	shalt  }
0x7f: {  	_ =	shalt  }
0x80: {  	_ =	shalt  }
0x81: {  	_ =	shalt  }
0x82: {  	_ =	shalt  }
0x83: {  	_ =	shalt  }
0x84: {  	_ =	shalt  }
0x85: {  	_ =	shalt  }
0x86: {  	_ =	shalt  }
0x87: {  	_ =	shalt  }
.Lfunc_end0:
.L_simem_size_0:
called_computation_lowered:
.L_overlay_start_0:
0x88: {  	s2 =	sld [smem:$0x3FD9]  }
0x89: {  	s3 =	sld [smem:$0x3FFE];
	_ =	sdelay $0x1  }
0x8a: {  	s1 =	srdreg.scid  }
0x8b: {  	s0 =	sand.u32 $0x1, s1  }
0x8c: {  	s17 =	sshll.u32 s0, $0xA;
	s2 =	sadd.s32 s3, s2  }
0x8d: {  	s2 =	sadd.s32 s2, s17  }
0x8e: {  	[smem:$0x3FC2] =	sst s2  }
0x8f: {  	_ = 	snop  }
0x90: {  	s2 =	sld [smem:$0x3FD0];
	(tm) =	ssettm $0x1  }
0x91: {  	s18 =	sld [smem:$0x3FFB];
	_ =	sdelay $0x3  }
0x92: {  	_ =	strace s18  }
0x93: {  	s3 =	sld [smem:$0x3FFC];
	_ =	sdelay $0x3  }
0x94: {  	_ =	strace s3  }
0x95: {  	s3 =	sld [smem:$0x3FFD];
	_ =	sdelay $0x3  }
0x96: {  	_ =	strace s3  }
0x97: {  	_ =	strace $0x8FFFFFFF  }
0x98: {  	s19 =	sld [smem:$0x3FDB];
	_ =	sdelay $0x1  }
0x99: {  	s4 =	simm.s32 $_scs_section_size  }
0x9a: {  	s5 =	simm.s32 $_size__tile_overlayer_lowered;
	s6 =	simm.s32 $_tile_overlayer_lowered  }
0x9b: {  	s22 =	simm.s32 $0x1BFF;
	s21 =	sshll.u32 s6, $0x1;
	s3 =	sadd.s32 s4, s19  }
0x9c: {  	s7 =	simm.s32 $0x0;
	s20 =	sshll.u32 s5, $0x1;
	s5 =	sadd.s32 s21, s3  }
0x9d: {  	[timem:s7], [sflag:s22] =	dma.local [hbm:s5], s20  }
0x9e: {  	_ =	swait.ge [sflag:s22], s20  }
0x9f: {  	s4 =	ssub.s32 $0x0, s20;
	[sflag:s22] =	ssyncset.done $0x0  }
0xa0: {  	[sflag:s22] =	ssyncadd.s32 s4;
	_ =	sdelay $0x1  }
0xa1: {  	s23 =	simm.s32 $0x1B8B  }
0xa2: {  	_ =	swait.ge [sflag:s23], $0x1  }
0xa3: {  	[sflag:s23] =	ssyncset.done $0x0  }
0xa4: {  	s25 =	simm.s32 $0x1B8E;
	s24 =	sld [smem:$0x3FFE];
	[sflag:s23] =	ssyncadd.s32 $0xFFFFFFFF  }
0xa5: {  	s26 =	simm.s32 $execute0_lowered;
	[smem:$0x3FD2] =	sst s25  }
0xa6: {  	s5 =	sshll.u32 s26, $0x1;
	_ =	strace $0x80000046;
	[dreg:$0x1] =	wrdreg $0xFFFFFFFF  }
0xa7: {  	s28 =	simm.s32 $_size_execute0_lowered;
	s3 =	sadd.s32 s3, s5;
	[dreg:$0x0] =	wrdreg $0x0  }
0xa8: {  	s5 =	sshll.u32 s28, $0x1;
	[dreg:$0x2] =	wrdreg s3  }
0xa9: {  	[dreg:$0x3] =	wrdreg s5  }
0xaa: {  	[dreg:$0x4] =	wrdreg $0xC0  }
0xab: {  	_ =	task [dreg:s7], $0x5FFFF  }
0xac: {  	[dreg:$0x1] =	wrdreg $0xFFFFFFFF  }
0xad: {  	[dreg:$0x0] =	wrdreg $0x60  }
0xae: {  	[dreg:$0x2] =	wrdreg s24  }
0xaf: {  	[dreg:$0x3] =	wrdreg s2  }
0xb0: {  	[dreg:$0x4] =	wrdreg $0x9  }
0xb1: {  	_ =	task.clear_ibuf [dreg:s7], $0x5FFFF;
	_ =	strace $0x90000046  }
0xb2: {  	s29 =	simm.s32 $0x9;
	_ =	strace $0x80000048  }
0xb3: {  	_ =	swait.ge [sflag:s29], $0x1  }
0xb4: {  	[sflag:s29] =	ssyncadd.s32 $0xFFFFFFFF  }
0xb5: {  	_ =	strace $0x90000048  }
0xb6: {  	_ =	sfence  }
0xb7: {  	s30 =	sld [smem:$0x0];
	_ =	sdelay $0x2  }
0xb8: {  	s31 =	sshll.u32 s1, $0xD;
	s1 =	sshrl.u32 s1, $0x2  }
0xb9: {  	s3 =	sand.u32 $0x4000, s31;
	s1 =	sadd.s32 s1, s30  }
0xba: {  	s0 =	sor.u32 s3, s0;
	s1 =	sshll.u32 s1, $0x11  }
0xbb: {  	s0 =	sor.u32 s1, s0  }
0xbc: {  	s0 =	sadd.s32 $0x8F2B, s0  }
0xbd: {  	[sflag:s0] =	ssyncadd.remote.s32 $0x1  }
0xbe: {  	_ =	sfence.sel $0xFFFF  }
0xbf: {  	[dreg:$0x0] =	wrdreg $0xFFFFFFFF;
	(pc) =	sbr.abs _section_cstart, $3  }
0xc0: {  	[dreg:$0x1] =	wrdreg $0xFFFFFFFF  }
0xc1: {  	_ =	task.clear_ibuf [dreg:s7], $0x2FFFF;
	_ =	strace $0x9FFFFFFF  }
0xc2: {  	(tm) =	ssettm $0x7FFFFFFF  }
0xc3: {  	_ =	shalt  }
tec
execute0_lowered:
.L_overlay_start_1:
0x0: {  	(tag) =	ssettag $0x1  }
0x1: {  	s3 =	rddreg [dreg:$0x0]  }
0x2: {  	s1 =	srdreg.scid;
	s0 =	stileid.u32  }
0x3: {  	s4 =	rddreg [dreg:$0x1];
	s9 =	simm.s32 $0x400;
	s10 =	simm.s32 $0x0  }
0x4: {  	s5 =	sand.u32 $0x1, s1;
	s2 =	sshll.u32 s0, $0x1;
	s1 =	rddreg [dreg:$0x2]  }
0x5: {  	s7 =	sshrl.u32 s0, $0x2;
	s6 =	sor.u32 s5, s2;
	s2 =	simm.s32 $0x0  }
0x6: {  	s7 =	smul.u32 $0x14000, s7;
	s5 =	ssub.s32 $0x2, s5;
	s8 =	sshll.u32 s6, $0x7  }
0x7: {  	[smem:$0x7FF] =	sst s2;
	s6 =	smul.u32 $0x4EC, s6;
	s31 =	sshrl.u32 s5, $0x1  }
0x8: {  	s8 =	sand.u32 $0x380, s8;
	_ =	strace $0x80000047;
	s5 =	ssub.s32 s5, s31  }
0x9: {  	s7 =	sor.u32 s7, s8;
	s3 =	sadd.s32 s6, s3;
	s5 =	smax.u32 s5, $0x1  }
0xa: {  	s6 =	simm.s32 $0x1;
	s8 =	simm.s32 $0x80;
	s7 =	sshrl.u32 s7, $0x3  }
0xb: {  	v0 =	vimm.f32 $0.0e+00;
	v1 =	vimm.f32 $1.000000000e+00;
	s3 =	sadd.s32 $0xC000, s3;
	s4 =	sadd.s32 s4, s7;
	s7 =	simm.s32 $0x2780  }
.LBB2_1:
0xc: {  	[tilespmem:s2], [sflag:$0x1] =	stream.linear.gather [hbm4b:s3+s2], $0x2760, $0x38;
	[tilespmem:$0x4F80] =	vst v63  }
0xd: {  	_ =	swait.ge [sflag:s6], $0x2760  }
0xe: {  	[sflag:s6] =	ssyncset.done $0x0  }
0xf: {  	s11 =	simm.s32 $0x0;
	[sflag:s6] =	ssyncadd.s32 $0xFFFFD8A0  }
.LBB2_2:
0x10: {  	p0 =	sne.s32 s11, $0x9FC0  }
.Ltmp0:
0x11: {  	_ = 	snop;
	(pc) =	sbr.rel @p0 .LBB2_2-.Ltmp0, $3  }
0x12: {  	_ =	sdelay $0x1  }
0x13: {  	s12 =	sshra.s32 s11, $0x2  }
0x14: {  	s11 =	sadd.s32 $0x40, s11;
	[tilespmem:s12+$0x2780] =	vst v0  }
0x15: {  	s12 =	simm.s32 $0x0;
	s11 =	simm.s32 $0x40  }
.LBB2_4:
0x16: {  	p0 =	sne.s32 s11, $0x9D40;
	v2 =	vld [tilespmem:s12+$0x0];
	_ =	sdelay $0x3  }
.Ltmp1:
0x17: {  	(pc) =	sbr.rel @p0 .LBB2_4-.Ltmp1, $2  }
0x18: {  	_ =	sdelay $0x2  }
0x19: {  	s12 =	sshra.s32 s11, $0x2;
	s11 =	sadd.s32 $0x40, s11;
	[tilespmem:v2+s7+$0x0] =	vst.idx.add.f32.msk $0xffff, v1  }
0x1a: {  	v2 =	vld [tilespmem:s12+$0x0];
	_ =	sdelay $0x5  }
0x1b: {  	s10 =	sadd.s32 $0x1, s10  }
0x1c: {  	p0 =	sne.s32 s10, s5  }
.Ltmp2:
0x1d: {  	[tilespmem:v2+s7+$0x0] =	vst.idx.add.f32.msk $0xffff, v1;
	(pc) =	sbr.rel @p0 .LBB2_1-.Ltmp2, $4  }
0x1e: {  	[hbm4b:s4+s8] =	stream.strided.scatter [tilespmem:s7], [sflag:$0x1], $0x2800, s9, s8, $0x38;
	[tilespmem:$0x4F80] =	vst v63  }
0x1f: {  	_ =	swait.ge [sflag:s6], $0x2800  }
0x20: {  	[sflag:s6] =	ssyncset.done $0x0  }
0x21: {  	[sflag:s6] =	ssyncadd.s32 $0xFFFFD800  }
0x22: {  	_ =	sfence.sel $0x180000  }
0x23: {  	[bflag:$0x0] =	sbarrier.arrive $0xFFFF  }
0x24: {  	p0 =	sne.s32 s0, $0x0;
	_ =	strace $0x90000047  }
0x25: {  	s0 =	sadd.s32 @!p0 $0x100000, s1;
	[bflag:$0x2] =	sbarrier.arrive $0xFFFF  }
0x26: {  	[sflag:s0] =	ssyncadd.tile.s32 @!p0 $0x1;
	_ =	shalt  }
.Lfunc_end2:
_tile_overlayer_lowered:
.L_overlay_start_2:
0x27: {  	(tag) =	ssettag $0x2  }
0x28: {  	s0 =	rddreg [dreg:$0x0];
	s2 =	stileid.u32  }
0x29: {  	s1 =	rddreg [dreg:$0x1];
	p0 =	sne.s32 s2, $0x0  }
0x2a: {  	s3 =	rddreg [dreg:$0x2];
	[bflag:$0x3] =	sbarrier.arrive $0xFFFF;
	s2 =	simm.s32 @!p0 $0x1C01  }
0x2b: {  	[timem:s3], [sflag:s2] =	dma.local @!p0 [hbm:s0], s1  }
0x2c: {  	s0 =	simm.s32 @!p0 $0x1  }
0x2d: {  	_ =	swait.ge @!p0 [sflag:s0], s1  }
0x2e: {  	s1 =	ssub.s32 @!p0 $0x0, s1;
	[sflag:s0] =	ssyncset.done @!p0 $0x0  }
0x2f: {  	[sflag:s0] =	ssyncadd.s32 @!p0 s1  }
0x30: {  	[bflag:$0x3] =	sbarrier.arrive $0xFFFF  }
0x31: {  	_ =	shalt  }

</sc_bundles>
